<compile_context>
chip_gen: v7x
topology: tpu7x:2x2x1
jax: 0.10.2.dev20260603
libtpu: 0.0.44.dev20260713+nightly
codegen_flags: <defaults>
</compile_context>

<pallas_src>
import jax
import jax.numpy as jnp
from jax import lax
from jax.experimental import pallas as pl
from jax.experimental.pallas import tpu as pltpu
from jax.experimental.pallas import tpu_sc as plsc

B, C, H, W = 64, 3, 512, 512
PH, PW = 64, 64

_NC, _NS = 2, 16
_NW = _NC * _NS
_BPW = B // _NW
_L = 16
_WR, _WC = 72, 256
_NG = 5


_GATHER_DNUMS = lax.GatherDimensionNumbers(
    offset_dims=(), collapsed_slice_dims=(0,), start_index_map=(0,))


def _perm(v, idx):
  return lax.gather(v, idx[:, None], _GATHER_DNUMS, (1,),
                    mode=lax.GatherScatterMode.PROMISE_IN_BOUNDS)


def _sc_body(img_ref, wargs_ref, patch_ref, patch_v, wargs_v, win_v):
  wid = lax.axis_index("s") * _NC + lax.axis_index("c")

  pltpu.sync_copy(patch_ref, patch_v)
  pltpu.sync_copy(wargs_ref.at[wid], wargs_v)
  vals = wargs_v[...]

  lanes = lax.iota(jnp.int32, _L)

  for j in range(_BPW):
    b = wid * _BPW + j
    r = vals[2 * j]
    c = vals[2 * j + 1]
    r0 = pl.multiple_of((r // 8) * 8, 8)
    c0 = pl.multiple_of(jnp.minimum((c // 128) * 128, W - _WC), 128)
    dr = r - r0
    dc = c - c0
    g0 = pl.multiple_of((dc // _L) * _L, _L)

    for ch in range(C):
      pltpu.sync_copy(img_ref.at[b, ch, pl.ds(r0, _WR), pl.ds(c0, _WC)],
                      win_v)

      sh = dc - g0
      idx = (lanes - sh) % _L
      lo = lanes < sh

      @pl.loop(0, PH)
      def _(pi):
        wi = dr + pi
        segs = [patch_v[ch, pi, pl.ds(k * _L, _L)] for k in range(PW // _L)]
        perms = [_perm(v, idx) for v in segs]
        prev = [perms[0]] + perms
        cur_ = perms + [perms[-1]]
        for g in range(_NG):
          m0 = g0 + g * _L
          col = m0 + lanes - dc
          ok = (col >= 0) & (col < PW)
          pv = jnp.where(lo, prev[g], cur_[g])
          cur = win_v[wi, pl.ds(m0, _L)]
          win_v[wi, pl.ds(m0, _L)] = jnp.where(ok, pv, cur)

      pltpu.sync_copy(win_v,
                      img_ref.at[b, ch, pl.ds(r0, _WR), pl.ds(c0, _WC)])


def kernel(image, top_left_rows, top_left_cols, learned_patch):
  patch = learned_patch[0]

  rc = jnp.stack([top_left_rows, top_left_cols], axis=1).reshape(_NW, 2 * _BPW)
  wargs = jnp.zeros((_NW, _L), jnp.int32).at[:, : 2 * _BPW].set(rc)

  k = pl.kernel(
      _sc_body,
      out_type=(),
      mesh=plsc.VectorSubcoreMesh(core_axis_name="c", subcore_axis_name="s"),
      scratch_types=[
          pltpu.VMEM((C, PH, PW), jnp.float32),
          pltpu.VMEM((_L,), jnp.int32),
          pltpu.VMEM((_WR, _WC), jnp.float32),
      ],
  )
  img_ref = jax.new_ref(image)
  k(img_ref, wargs, patch)
  return img_ref[...]

# --- scband reference (transcript-rebuilt; emitter-appended) ---
"""Pipeline reference for scband-patch-image-processor-7696581394964 (READ-ONLY COPY).

The authoritative reference and input builder live on the scoring server;
editing this copy changes nothing except your own understanding.
"""

import jax, jax.numpy as jnp
import numpy as np

B, C, H, W = 64, 3, 512, 512
PH, PW = 64, 64

def setup_inputs(seed: int = 0) -> dict:
    key = jax.random.key(seed)
    k1, k2, k3, k4 = jax.random.split(key, 4)
    image = jax.random.uniform(k1, (B, C, H, W), dtype=jnp.float32)
    top_left_rows = jax.random.randint(k2, (B,), 0, H - PH, dtype=jnp.int32)
    top_left_cols = jax.random.randint(k3, (B,), 0, W - PW, dtype=jnp.int32)
    # learned_patch parameter, shape (1, C, PH, PW), init in [0, 1]
    learned_patch = jax.random.uniform(k4, (1, C, PH, PW), dtype=jnp.float32)
    return {"image": image, "top_left_rows": top_left_rows, "top_left_cols": top_left_cols, "learned_patch": learned_patch}

def reference(image, top_left_rows, top_left_cols, learned_patch):
    # set_patches: for each batch element b, overwrite the region
    # image[b, :, r:r+PH, c:c+PW] with the (broadcast) learned patch.
    patch = learned_patch[0]  # (C, PH, PW)
    def place(img, r, c):
        return jax.lax.dynamic_update_slice(img, patch, (jnp.int32(0), r, c))
    patched_image = jax.vmap(place, in_axes=(0, 0, 0))(image, top_left_rows, top_left_cols)
    return patched_image

if __name__ == "__main__":
    import jax
    _d = setup_inputs()
    print(jax.jit(kernel)(*tuple(_d.values())))

</pallas_src>

<mosaic_0001>
#map = affine_map<(d0, d1) -> (0, 0, 0, 0)>
#map1 = affine_map<(d0, d1) -> (0, 0)>
#map2 = affine_map<(d0, d1) -> (0, 0, 0)>
module attributes {stable_mosaic.version = 14 : i64} {
  func.func @new_body(%arg0: i32, %arg1: i32, %arg2: memref<64x3x512x512xf32, #tpu.memory_space<hbm>>, %arg3: memref<32x16xi32, #tpu.memory_space<hbm>>, %arg4: memref<3x64x64xf32, #tpu.memory_space<hbm>>, %arg5: memref<64x3x512x512xf32, #tpu.memory_space<hbm>>, %arg6: memref<3x64x64xf32, #tpu.memory_space<vmem>>, %arg7: memref<16xi32, #tpu.memory_space<vmem>>, %arg8: memref<72x256xf32, #tpu.memory_space<vmem>>) attributes {dimension_semantics = [#tpu.dimension_semantics<core_parallel>, #tpu.dimension_semantics<subcore_parallel>], iteration_bounds = array<i64: 2, 16>, scalar_prefetch = 0 : i64, scratch_operands = 3 : i64, tpu.core_type = #tpu.core_type<sc_vector_subcore>, window_params = [{transform_indices = #map}, {transform_indices = #map1}, {transform_indices = #map2}, {transform_indices = #map}]} {
    %mul3A = arith.constant 2 : i32
    %mul3A_0 = arith.muli %arg1, %mul3A : i32
    %add3A = arith.addi %mul3A_0, %arg0 : i32
    "tpu.region"() ({
      %run_scoped3A_377 = tpu.sem_alloc : memref<!tpu.dma_semaphore, #tpu.memory_space<semaphore_mem>>
      tpu.enqueue_dma source(%arg4 : memref<3x64x64xf32, #tpu.memory_space<hbm>>) target(%arg6 : memref<3x64x64xf32, #tpu.memory_space<vmem>>) target_semaphore(%run_scoped3A_377 : memref<!tpu.dma_semaphore, #tpu.memory_space<semaphore_mem>>)
      tpu.wait_dma2 semaphore(%run_scoped3A_377 : memref<!tpu.dma_semaphore, #tpu.memory_space<semaphore_mem>>) src(%arg4 : memref<3x64x64xf32, #tpu.memory_space<hbm>>) dst(%arg6 : memref<3x64x64xf32, #tpu.memory_space<vmem>>)
      tpu.yield
    }) : () -> ()
    "tpu.region"() ({
      %run_scoped3A_377 = tpu.sem_alloc : memref<!tpu.dma_semaphore, #tpu.memory_space<semaphore_mem>>
      %dma_start3A = arith.constant 0 : i32
      %dma_start3A_378 = tpu.memref_slice %arg3[%add3A, %dma_start3A] : memref<32x16xi32, #tpu.memory_space<hbm>> -> memref<1x16xi32, #tpu.memory_space<hbm>>
      %dma_start3A_379 = tpu.memref_squeeze %dma_start3A_378 : memref<1x16xi32, #tpu.memory_space<hbm>> -> memref<16xi32, #tpu.memory_space<hbm>>
      %dma_start3A_380 = arith.constant 0 : i32
      %dma_start3A_381 = tpu.memref_slice %arg3[%add3A, %dma_start3A_380] : memref<32x16xi32, #tpu.memory_space<hbm>> -> memref<1x16xi32, #tpu.memory_space<hbm>>
      %dma_start3A_382 = tpu.memref_squeeze %dma_start3A_381 : memref<1x16xi32, #tpu.memory_space<hbm>> -> memref<16xi32, #tpu.memory_space<hbm>>
      tpu.enqueue_dma source(%dma_start3A_382 : memref<16xi32, #tpu.memory_space<hbm>>) target(%arg7 : memref<16xi32, #tpu.memory_space<vmem>>) target_semaphore(%run_scoped3A_377 : memref<!tpu.dma_semaphore, #tpu.memory_space<semaphore_mem>>)
      %dma_wait3A = arith.constant 0 : i32
      %dma_wait3A_383 = tpu.memref_slice %arg3[%add3A, %dma_wait3A] : memref<32x16xi32, #tpu.memory_space<hbm>> -> memref<1x16xi32, #tpu.memory_space<hbm>>
      %dma_wait3A_384 = tpu.memref_squeeze %dma_wait3A_383 : memref<1x16xi32, #tpu.memory_space<hbm>> -> memref<16xi32, #tpu.memory_space<hbm>>
      %dma_wait3A_385 = arith.constant 0 : i32
      %dma_wait3A_386 = tpu.memref_slice %arg3[%add3A, %dma_wait3A_385] : memref<32x16xi32, #tpu.memory_space<hbm>> -> memref<1x16xi32, #tpu.memory_space<hbm>>
      %dma_wait3A_387 = tpu.memref_squeeze %dma_wait3A_386 : memref<1x16xi32, #tpu.memory_space<hbm>> -> memref<16xi32, #tpu.memory_space<hbm>>
      tpu.wait_dma2 semaphore(%run_scoped3A_377 : memref<!tpu.dma_semaphore, #tpu.memory_space<semaphore_mem>>) src(%dma_wait3A_387 : memref<16xi32, #tpu.memory_space<hbm>>) dst(%arg7 : memref<16xi32, #tpu.memory_space<vmem>>)
      tpu.yield
    }) : () -> ()
    %get3A = arith.constant 0 : index
    %get3A_1 = tpu.vector_load %arg7[%get3A] {strides = array<i32>} : memref<16xi32, #tpu.memory_space<vmem>>, vector<16xi32>,
    %get3A_2 = vector.shape_cast %get3A_1 : vector<16xi32> to vector<16xi32>
    %iota3A = tpu.iota {dimensions = array<i32: 0>} : vector<16xi32>
    %mul3A_3 = arith.constant 2 : i32
    %mul3A_4 = arith.muli %add3A, %mul3A_3 : i32
    %add3A_5 = arith.constant 0 : i32
    %add3A_6 = arith.addi %mul3A_4, %add3A_5 : i32
    %slice3A = vector.extract_strided_slice %get3A_2 {offsets = [0], sizes = [1], strides = [1]} : vector<16xi32> to vector<1xi32>
    %squeeze3A = vector.extract %slice3A[0] : i32 from vector<1xi32>
    %slice3A_7 = vector.extract_strided_slice %get3A_2 {offsets = [1], sizes = [1], strides = [1]} : vector<16xi32> to vector<1xi32>
    %squeeze3A_8 = vector.extract %slice3A_7[0] : i32 from vector<1xi32>
    %jit3A = arith.constant 8 : i32
    %div3A = arith.divsi %squeeze3A, %jit3A : i32
    %sign3A = arith.constant 0 : i32
    %sign3A_9 = arith.cmpi sgt, %squeeze3A, %sign3A : i32
    %sign3A_10 = arith.extui %sign3A_9 : i1 to i32
    %sign3A_11 = arith.constant 0 : i32
    %sign3A_12 = arith.cmpi slt, %squeeze3A, %sign3A_11 : i32
    %sign3A_13 = arith.extui %sign3A_12 : i1 to i32
    %sign3A_14 = arith.subi %sign3A_10, %sign3A_13 : i32
    %sign3A_15 = arith.constant 0 : i32
    %sign3A_16 = arith.cmpi sgt, %jit3A, %sign3A_15 : i32
    %sign3A_17 = arith.extui %sign3A_16 : i1 to i32
    %sign3A_18 = arith.constant 0 : i32
    %sign3A_19 = arith.cmpi slt, %jit3A, %sign3A_18 : i32
    %sign3A_20 = arith.extui %sign3A_19 : i1 to i32
    %sign3A_21 = arith.subi %sign3A_17, %sign3A_20 : i32
    %ne3A = arith.cmpi ne, %sign3A_14, %sign3A_21 : i32
    %rem3A = arith.remsi %squeeze3A, %jit3A : i32
    %ne3A_22 = arith.constant 0 : i32
    %ne3A_23 = arith.cmpi ne, %rem3A, %ne3A_22 : i32
    %and3A = arith.andi %ne3A, %ne3A_23 : i1
    %sub3A = arith.constant 1 : i32
    %sub3A_24 = arith.subi %div3A, %sub3A : i32
    %select_n3A = arith.select %and3A, %sub3A_24, %div3A : i32
    %mul3A_25 = arith.constant 8 : i32
    %mul3A_26 = arith.muli %select_n3A, %mul3A_25 : i32
    %multiple_of3A = tpu.assume_multiple %mul3A_26, 8 : i32
    %jit3A_27 = arith.constant 128 : i32
    %div3A_28 = arith.divsi %squeeze3A_8, %jit3A_27 : i32
    %sign3A_29 = arith.constant 0 : i32
    %sign3A_30 = arith.cmpi sgt, %squeeze3A_8, %sign3A_29 : i32
    %sign3A_31 = arith.extui %sign3A_30 : i1 to i32
    %sign3A_32 = arith.constant 0 : i32
    %sign3A_33 = arith.cmpi slt, %squeeze3A_8, %sign3A_32 : i32
    %sign3A_34 = arith.extui %sign3A_33 : i1 to i32
    %sign3A_35 = arith.subi %sign3A_31, %sign3A_34 : i32
    %sign3A_36 = arith.constant 0 : i32
    %sign3A_37 = arith.cmpi sgt, %jit3A_27, %sign3A_36 : i32
    %sign3A_38 = arith.extui %sign3A_37 : i1 to i32
    %sign3A_39 = arith.constant 0 : i32
    %sign3A_40 = arith.cmpi slt, %jit3A_27, %sign3A_39 : i32
    %sign3A_41 = arith.extui %sign3A_40 : i1 to i32
    %sign3A_42 = arith.subi %sign3A_38, %sign3A_41 : i32
    %ne3A_43 = arith.cmpi ne, %sign3A_35, %sign3A_42 : i32
    %rem3A_44 = arith.remsi %squeeze3A_8, %jit3A_27 : i32
    %ne3A_45 = arith.constant 0 : i32
    %ne3A_46 = arith.cmpi ne, %rem3A_44, %ne3A_45 : i32
    %and3A_47 = arith.andi %ne3A_43, %ne3A_46 : i1
    %sub3A_48 = arith.constant 1 : i32
    %sub3A_49 = arith.subi %div3A_28, %sub3A_48 : i32
    %select_n3A_50 = arith.select %and3A_47, %sub3A_49, %div3A_28 : i32
    %mul3A_51 = arith.constant 128 : i32
    %mul3A_52 = arith.muli %select_n3A_50, %mul3A_51 : i32
    %min3A = arith.constant 256 : i32
    %min3A_53 = arith.minsi %mul3A_52, %min3A : i32
    %multiple_of3A_54 = tpu.assume_multiple %min3A_53, 128 : i32
    %sub3A_55 = arith.subi %squeeze3A, %multiple_of3A : i32
    %sub3A_56 = arith.subi %squeeze3A_8, %multiple_of3A_54 : i32
    %jit3A_57 = arith.constant 16 : i32
    %div3A_58 = arith.divsi %sub3A_56, %jit3A_57 : i32
    %sign3A_59 = arith.constant 0 : i32
    %sign3A_60 = arith.cmpi sgt, %sub3A_56, %sign3A_59 : i32
    %sign3A_61 = arith.extui %sign3A_60 : i1 to i32
    %sign3A_62 = arith.constant 0 : i32
    %sign3A_63 = arith.cmpi slt, %sub3A_56, %sign3A_62 : i32
    %sign3A_64 = arith.extui %sign3A_63 : i1 to i32
    %sign3A_65 = arith.subi %sign3A_61, %sign3A_64 : i32
    %sign3A_66 = arith.constant 0 : i32
    %sign3A_67 = arith.cmpi sgt, %jit3A_57, %sign3A_66 : i32
    %sign3A_68 = arith.extui %sign3A_67 : i1 to i32
    %sign3A_69 = arith.constant 0 : i32
    %sign3A_70 = arith.cmpi slt, %jit3A_57, %sign3A_69 : i32
    %sign3A_71 = arith.extui %sign3A_70 : i1 to i32
    %sign3A_72 = arith.subi %sign3A_68, %sign3A_71 : i32
    %ne3A_73 = arith.cmpi ne, %sign3A_65, %sign3A_72 : i32
    %rem3A_74 = arith.remsi %sub3A_56, %jit3A_57 : i32
    %ne3A_75 = arith.constant 0 : i32
    %ne3A_76 = arith.cmpi ne, %rem3A_74, %ne3A_75 : i32
    %and3A_77 = arith.andi %ne3A_73, %ne3A_76 : i1
    %sub3A_78 = arith.constant 1 : i32
    %sub3A_79 = arith.subi %div3A_58, %sub3A_78 : i32
    %select_n3A_80 = arith.select %and3A_77, %sub3A_79, %div3A_58 : i32
    %mul3A_81 = arith.constant 16 : i32
    %mul3A_82 = arith.muli %select_n3A_80, %mul3A_81 : i32
    %multiple_of3A_83 = tpu.assume_multiple %mul3A_82, 16 : i32
    %run_scoped3A = arith.constant 0 : i32
    "tpu.region"() ({
      %run_scoped3A_377 = tpu.sem_alloc : memref<!tpu.dma_semaphore, #tpu.memory_space<semaphore_mem>>
      %dma_start3A = tpu.memref_slice %arg2[%add3A_6, %run_scoped3A, %multiple_of3A, %multiple_of3A_54] : memref<64x3x512x512xf32, #tpu.memory_space<hbm>> -> memref<1x1x72x256xf32, #tpu.memory_space<hbm>>
      %dma_start3A_378 = tpu.memref_squeeze %dma_start3A : memref<1x1x72x256xf32, #tpu.memory_space<hbm>> -> memref<72x256xf32, #tpu.memory_space<hbm>>
      %dma_start3A_379 = tpu.memref_slice %arg2[%add3A_6, %run_scoped3A, %multiple_of3A, %multiple_of3A_54] : memref<64x3x512x512xf32, #tpu.memory_space<hbm>> -> memref<1x1x72x256xf32, #tpu.memory_space<hbm>>
      %dma_start3A_380 = tpu.memref_squeeze %dma_start3A_379 : memref<1x1x72x256xf32, #tpu.memory_space<hbm>> -> memref<72x256xf32, #tpu.memory_space<hbm>>
      tpu.enqueue_dma source(%dma_start3A_380 : memref<72x256xf32, #tpu.memory_space<hbm>>) target(%arg8 : memref<72x256xf32, #tpu.memory_space<vmem>>) target_semaphore(%run_scoped3A_377 : memref<!tpu.dma_semaphore, #tpu.memory_space<semaphore_mem>>)
      %dma_wait3A = tpu.memref_slice %arg2[%add3A_6, %run_scoped3A, %multiple_of3A, %multiple_of3A_54] : memref<64x3x512x512xf32, #tpu.memory_space<hbm>> -> memref<1x1x72x256xf32, #tpu.memory_space<hbm>>
      %dma_wait3A_381 = tpu.memref_squeeze %dma_wait3A : memref<1x1x72x256xf32, #tpu.memory_space<hbm>> -> memref<72x256xf32, #tpu.memory_space<hbm>>
      %dma_wait3A_382 = tpu.memref_slice %arg2[%add3A_6, %run_scoped3A, %multiple_of3A, %multiple_of3A_54] : memref<64x3x512x512xf32, #tpu.memory_space<hbm>> -> memref<1x1x72x256xf32, #tpu.memory_space<hbm>>
      %dma_wait3A_383 = tpu.memref_squeeze %dma_wait3A_382 : memref<1x1x72x256xf32, #tpu.memory_space<hbm>> -> memref<72x256xf32, #tpu.memory_space<hbm>>
      tpu.wait_dma2 semaphore(%run_scoped3A_377 : memref<!tpu.dma_semaphore, #tpu.memory_space<semaphore_mem>>) src(%dma_wait3A_383 : memref<72x256xf32, #tpu.memory_space<hbm>>) dst(%arg8 : memref<72x256xf32, #tpu.memory_space<vmem>>)
      tpu.yield
    }) : () -> ()
    %sub3A_84 = arith.subi %sub3A_56, %multiple_of3A_83 : i32
    %sub3A_85 = vector.broadcast %sub3A_84 : i32 to vector<16xi32>
    %sub3A_86 = arith.subi %iota3A, %sub3A_85 : vector<16xi32>
    %jit3A_87 = arith.constant 16 : i32
    %eq3A = arith.constant 0 : i32
    %eq3A_88 = arith.cmpi eq, %jit3A_87, %eq3A : i32
    %jit3A_89 = arith.constant 1 : i32
    %select_n3A_90 = arith.select %eq3A_88, %jit3A_89, %jit3A_87 : i32
    %rem3A_91 = vector.broadcast %select_n3A_90 : i32 to vector<16xi32>
    %rem3A_92 = arith.remsi %sub3A_86, %rem3A_91 : vector<16xi32>
    %ne3A_93 = arith.constant 0 : i32
    %ne3A_94 = vector.broadcast %ne3A_93 : i32 to vector<16xi32>
    %ne3A_95 = arith.cmpi ne, %rem3A_92, %ne3A_94 : vector<16xi32>
    %lt3A = arith.constant 0 : i32
    %lt3A_96 = vector.broadcast %lt3A : i32 to vector<16xi32>
    %lt3A_97 = arith.cmpi slt, %rem3A_92, %lt3A_96 : vector<16xi32>
    %lt3A_98 = arith.constant 0 : i32
    %lt3A_99 = arith.cmpi slt, %select_n3A_90, %lt3A_98 : i32
    %ne3A_100 = vector.broadcast %lt3A_99 : i1 to vector<16xi1>
    %ne3A_101 = vector.broadcast %ne3A_100 : vector<16xi1> to vector<16xi1>
    %ne3A_102 = arith.xori %lt3A_97, %ne3A_101 : vector<16xi1>
    %and3A_103 = arith.andi %ne3A_102, %ne3A_95 : vector<16xi1>
    %add3A_104 = vector.broadcast %select_n3A_90 : i32 to vector<16xi32>
    %add3A_105 = arith.addi %rem3A_92, %add3A_104 : vector<16xi32>
    %select_n3A_106 = arith.select %and3A_103, %add3A_105, %rem3A_92 : vector<16xi1>, vector<16xi32>
    %lt3A_107 = vector.broadcast %sub3A_84 : i32 to vector<16xi32>
    %lt3A_108 = arith.cmpi slt, %iota3A, %lt3A_107 : vector<16xi32>
    %scan3A = arith.constant 0 : i32
    %scan3A_109 = arith.constant 64 : i32
    %scan3A_110 = arith.addi %scan3A, %scan3A_109 : i32
    %scan3A_111 = arith.constant 1 : i32
    scf.for %scan3A_377 = %scan3A to %scan3A_110 step %scan3A_111  : i32 {
      %mul3A_378 = arith.constant 1 : i32
      %mul3A_379 = arith.muli %scan3A_377, %mul3A_378 : i32
      %add3A_380 = arith.constant 0 : i32
      %add3A_381 = arith.addi %add3A_380, %mul3A_379 : i32
      %add3A_382 = arith.addi %sub3A_55, %add3A_381 : i32
      %get3A_383 = arith.constant 0 : i32
      %get3A_384 = arith.index_cast %get3A_383 : i32 to index
      %get3A_385 = arith.index_cast %add3A_381 : i32 to index
      %get3A_386 = arith.constant 0 : index
      %get3A_387 = tpu.vector_load %arg6[%get3A_384, %get3A_385, %get3A_386] {strides = array<i32>} : memref<3x64x64xf32, #tpu.memory_space<vmem>>, vector<1x1x16xf32>,
      %get3A_388 = vector.shape_cast %get3A_387 : vector<1x1x16xf32> to vector<16xf32>
      %get3A_389 = arith.constant 0 : i32
      %get3A_390 = arith.index_cast %get3A_389 : i32 to index
      %get3A_391 = arith.index_cast %add3A_381 : i32 to index
      %get3A_392 = arith.constant 16 : index
      %get3A_393 = tpu.vector_load %arg6[%get3A_390, %get3A_391, %get3A_392] {strides = array<i32>} : memref<3x64x64xf32, #tpu.memory_space<vmem>>, vector<1x1x16xf32>,
      %get3A_394 = vector.shape_cast %get3A_393 : vector<1x1x16xf32> to vector<16xf32>
      %get3A_395 = arith.constant 0 : i32
      %get3A_396 = arith.index_cast %get3A_395 : i32 to index
      %get3A_397 = arith.index_cast %add3A_381 : i32 to index
      %get3A_398 = arith.constant 32 : index
      %get3A_399 = tpu.vector_load %arg6[%get3A_396, %get3A_397, %get3A_398] {strides = array<i32>} : memref<3x64x64xf32, #tpu.memory_space<vmem>>, vector<1x1x16xf32>,
      %get3A_400 = vector.shape_cast %get3A_399 : vector<1x1x16xf32> to vector<16xf32>
      %get3A_401 = arith.constant 0 : i32
      %get3A_402 = arith.index_cast %get3A_401 : i32 to index
      %get3A_403 = arith.index_cast %add3A_381 : i32 to index
      %get3A_404 = arith.constant 48 : index
      %get3A_405 = tpu.vector_load %arg6[%get3A_402, %get3A_403, %get3A_404] {strides = array<i32>} : memref<3x64x64xf32, #tpu.memory_space<vmem>>, vector<1x1x16xf32>,
      %get3A_406 = vector.shape_cast %get3A_405 : vector<1x1x16xf32> to vector<16xf32>
      %broadcast_in_dim3A = vector.shape_cast %select_n3A_106 : vector<16xi32> to vector<16x1xi32>
      %gather3A = vector.shape_cast %broadcast_in_dim3A : vector<16x1xi32> to vector<16xi32>
      %gather3A_407 = tpu.dynamic_gather %get3A_388[%gather3A] in [0] : vector<16xf32>, vector<16xi32> -> vector<16xf32>
      %broadcast_in_dim3A_408 = vector.shape_cast %select_n3A_106 : vector<16xi32> to vector<16x1xi32>
      %gather3A_409 = vector.shape_cast %broadcast_in_dim3A_408 : vector<16x1xi32> to vector<16xi32>
      %gather3A_410 = tpu.dynamic_gather %get3A_394[%gather3A_409] in [0] : vector<16xf32>, vector<16xi32> -> vector<16xf32>
      %broadcast_in_dim3A_411 = vector.shape_cast %select_n3A_106 : vector<16xi32> to vector<16x1xi32>
      %gather3A_412 = vector.shape_cast %broadcast_in_dim3A_411 : vector<16x1xi32> to vector<16xi32>
      %gather3A_413 = tpu.dynamic_gather %get3A_400[%gather3A_412] in [0] : vector<16xf32>, vector<16xi32> -> vector<16xf32>
      %broadcast_in_dim3A_414 = vector.shape_cast %select_n3A_106 : vector<16xi32> to vector<16x1xi32>
      %gather3A_415 = vector.shape_cast %broadcast_in_dim3A_414 : vector<16x1xi32> to vector<16xi32>
      %gather3A_416 = tpu.dynamic_gather %get3A_406[%gather3A_415] in [0] : vector<16xf32>, vector<16xi32> -> vector<16xf32>
      %add3A_417 = arith.constant 0 : i32
      %add3A_418 = arith.addi %multiple_of3A_83, %add3A_417 : i32
      %add3A_419 = vector.broadcast %add3A_418 : i32 to vector<16xi32>
      %add3A_420 = arith.addi %add3A_419, %iota3A : vector<16xi32>
      %sub3A_421 = vector.broadcast %sub3A_56 : i32 to vector<16xi32>
      %sub3A_422 = arith.subi %add3A_420, %sub3A_421 : vector<16xi32>
      %ge3A = arith.constant 0 : i32
      %ge3A_423 = vector.broadcast %ge3A : i32 to vector<16xi32>
      %ge3A_424 = arith.cmpi sge, %sub3A_422, %ge3A_423 : vector<16xi32>
      %lt3A_425 = arith.constant 64 : i32
      %lt3A_426 = vector.broadcast %lt3A_425 : i32 to vector<16xi32>
      %lt3A_427 = arith.cmpi slt, %sub3A_422, %lt3A_426 : vector<16xi32>
      %and3A_428 = arith.andi %ge3A_424, %lt3A_427 : vector<16xi1>
      %select_n3A_429 = arith.select %lt3A_108, %gather3A_407, %gather3A_407 : vector<16xi1>, vector<16xf32>
      %get3A_430 = arith.index_cast %add3A_382 : i32 to index
      %get3A_431 = arith.index_cast %add3A_418 : i32 to index
      %get3A_432 = tpu.vector_load %arg8[%get3A_430, %get3A_431] {strides = array<i32>} : memref<72x256xf32, #tpu.memory_space<vmem>>, vector<1x16xf32>,
      %get3A_433 = vector.shape_cast %get3A_432 : vector<1x16xf32> to vector<16xf32>
      %select_n3A_434 = arith.select %and3A_428, %select_n3A_429, %get3A_433 : vector<16xi1>, vector<16xf32>
      %swap3A = arith.index_cast %add3A_382 : i32 to index
      %swap3A_435 = arith.index_cast %add3A_418 : i32 to index
      %swap3A_436 = tpu.vector_load %arg8[%swap3A, %swap3A_435] {strides = array<i32>} : memref<72x256xf32, #tpu.memory_space<vmem>>, vector<1x16xf32>,
      %swap3A_437 = vector.shape_cast %swap3A_436 : vector<1x16xf32> to vector<16xf32>
      %swap3A_438 = vector.shape_cast %select_n3A_434 : vector<16xf32> to vector<1x16xf32>
      tpu.vector_store %arg8[%swap3A, %swap3A_435], %swap3A_438 {strides = array<i32>} : memref<72x256xf32, #tpu.memory_space<vmem>>, vector<1x16xf32>,
      %add3A_439 = arith.constant 16 : i32
      %add3A_440 = arith.addi %multiple_of3A_83, %add3A_439 : i32
      %add3A_441 = vector.broadcast %add3A_440 : i32 to vector<16xi32>
      %add3A_442 = arith.addi %add3A_441, %iota3A : vector<16xi32>
      %sub3A_443 = vector.broadcast %sub3A_56 : i32 to vector<16xi32>
      %sub3A_444 = arith.subi %add3A_442, %sub3A_443 : vector<16xi32>
      %ge3A_445 = arith.constant 0 : i32
      %ge3A_446 = vector.broadcast %ge3A_445 : i32 to vector<16xi32>
      %ge3A_447 = arith.cmpi sge, %sub3A_444, %ge3A_446 : vector<16xi32>
      %lt3A_448 = arith.constant 64 : i32
      %lt3A_449 = vector.broadcast %lt3A_448 : i32 to vector<16xi32>
      %lt3A_450 = arith.cmpi slt, %sub3A_444, %lt3A_449 : vector<16xi32>
      %and3A_451 = arith.andi %ge3A_447, %lt3A_450 : vector<16xi1>
      %select_n3A_452 = arith.select %lt3A_108, %gather3A_407, %gather3A_410 : vector<16xi1>, vector<16xf32>
      %get3A_453 = arith.index_cast %add3A_382 : i32 to index
      %get3A_454 = arith.index_cast %add3A_440 : i32 to index
      %get3A_455 = tpu.vector_load %arg8[%get3A_453, %get3A_454] {strides = array<i32>} : memref<72x256xf32, #tpu.memory_space<vmem>>, vector<1x16xf32>,
      %get3A_456 = vector.shape_cast %get3A_455 : vector<1x16xf32> to vector<16xf32>
      %select_n3A_457 = arith.select %and3A_451, %select_n3A_452, %get3A_456 : vector<16xi1>, vector<16xf32>
      %swap3A_458 = arith.index_cast %add3A_382 : i32 to index
      %swap3A_459 = arith.index_cast %add3A_440 : i32 to index
      %swap3A_460 = tpu.vector_load %arg8[%swap3A_458, %swap3A_459] {strides = array<i32>} : memref<72x256xf32, #tpu.memory_space<vmem>>, vector<1x16xf32>,
      %swap3A_461 = vector.shape_cast %swap3A_460 : vector<1x16xf32> to vector<16xf32>
      %swap3A_462 = vector.shape_cast %select_n3A_457 : vector<16xf32> to vector<1x16xf32>
      tpu.vector_store %arg8[%swap3A_458, %swap3A_459], %swap3A_462 {strides = array<i32>} : memref<72x256xf32, #tpu.memory_space<vmem>>, vector<1x16xf32>,
      %add3A_463 = arith.constant 32 : i32
      %add3A_464 = arith.addi %multiple_of3A_83, %add3A_463 : i32
      %add3A_465 = vector.broadcast %add3A_464 : i32 to vector<16xi32>
      %add3A_466 = arith.addi %add3A_465, %iota3A : vector<16xi32>
      %sub3A_467 = vector.broadcast %sub3A_56 : i32 to vector<16xi32>
      %sub3A_468 = arith.subi %add3A_466, %sub3A_467 : vector<16xi32>
      %ge3A_469 = arith.constant 0 : i32
      %ge3A_470 = vector.broadcast %ge3A_469 : i32 to vector<16xi32>
      %ge3A_471 = arith.cmpi sge, %sub3A_468, %ge3A_470 : vector<16xi32>
      %lt3A_472 = arith.constant 64 : i32
      %lt3A_473 = vector.broadcast %lt3A_472 : i32 to vector<16xi32>
      %lt3A_474 = arith.cmpi slt, %sub3A_468, %lt3A_473 : vector<16xi32>
      %and3A_475 = arith.andi %ge3A_471, %lt3A_474 : vector<16xi1>
      %select_n3A_476 = arith.select %lt3A_108, %gather3A_410, %gather3A_413 : vector<16xi1>, vector<16xf32>
      %get3A_477 = arith.index_cast %add3A_382 : i32 to index
      %get3A_478 = arith.index_cast %add3A_464 : i32 to index
      %get3A_479 = tpu.vector_load %arg8[%get3A_477, %get3A_478] {strides = array<i32>} : memref<72x256xf32, #tpu.memory_space<vmem>>, vector<1x16xf32>,
      %get3A_480 = vector.shape_cast %get3A_479 : vector<1x16xf32> to vector<16xf32>
      %select_n3A_481 = arith.select %and3A_475, %select_n3A_476, %get3A_480 : vector<16xi1>, vector<16xf32>
      %swap3A_482 = arith.index_cast %add3A_382 : i32 to index
      %swap3A_483 = arith.index_cast %add3A_464 : i32 to index
      %swap3A_484 = tpu.vector_load %arg8[%swap3A_482, %swap3A_483] {strides = array<i32>} : memref<72x256xf32, #tpu.memory_space<vmem>>, vector<1x16xf32>,
      %swap3A_485 = vector.shape_cast %swap3A_484 : vector<1x16xf32> to vector<16xf32>
      %swap3A_486 = vector.shape_cast %select_n3A_481 : vector<16xf32> to vector<1x16xf32>
      tpu.vector_store %arg8[%swap3A_482, %swap3A_483], %swap3A_486 {strides = array<i32>} : memref<72x256xf32, #tpu.memory_space<vmem>>, vector<1x16xf32>,
      %add3A_487 = arith.constant 48 : i32
      %add3A_488 = arith.addi %multiple_of3A_83, %add3A_487 : i32
      %add3A_489 = vector.broadcast %add3A_488 : i32 to vector<16xi32>
      %add3A_490 = arith.addi %add3A_489, %iota3A : vector<16xi32>
      %sub3A_491 = vector.broadcast %sub3A_56 : i32 to vector<16xi32>
      %sub3A_492 = arith.subi %add3A_490, %sub3A_491 : vector<16xi32>
      %ge3A_493 = arith.constant 0 : i32
      %ge3A_494 = vector.broadcast %ge3A_493 : i32 to vector<16xi32>
      %ge3A_495 = arith.cmpi sge, %sub3A_492, %ge3A_494 : vector<16xi32>
      %lt3A_496 = arith.constant 64 : i32
      %lt3A_497 = vector.broadcast %lt3A_496 : i32 to vector<16xi32>
      %lt3A_498 = arith.cmpi slt, %sub3A_492, %lt3A_497 : vector<16xi32>
      %and3A_499 = arith.andi %ge3A_495, %lt3A_498 : vector<16xi1>
      %select_n3A_500 = arith.select %lt3A_108, %gather3A_413, %gather3A_416 : vector<16xi1>, vector<16xf32>
      %get3A_501 = arith.index_cast %add3A_382 : i32 to index
      %get3A_502 = arith.index_cast %add3A_488 : i32 to index
      %get3A_503 = tpu.vector_load %arg8[%get3A_501, %get3A_502] {strides = array<i32>} : memref<72x256xf32, #tpu.memory_space<vmem>>, vector<1x16xf32>,
      %get3A_504 = vector.shape_cast %get3A_503 : vector<1x16xf32> to vector<16xf32>
      %select_n3A_505 = arith.select %and3A_499, %select_n3A_500, %get3A_504 : vector<16xi1>, vector<16xf32>
      %swap3A_506 = arith.index_cast %add3A_382 : i32 to index
      %swap3A_507 = arith.index_cast %add3A_488 : i32 to index
      %swap3A_508 = tpu.vector_load %arg8[%swap3A_506, %swap3A_507] {strides = array<i32>} : memref<72x256xf32, #tpu.memory_space<vmem>>, vector<1x16xf32>,
      %swap3A_509 = vector.shape_cast %swap3A_508 : vector<1x16xf32> to vector<16xf32>
      %swap3A_510 = vector.shape_cast %select_n3A_505 : vector<16xf32> to vector<1x16xf32>
      tpu.vector_store %arg8[%swap3A_506, %swap3A_507], %swap3A_510 {strides = array<i32>} : memref<72x256xf32, #tpu.memory_space<vmem>>, vector<1x16xf32>,
      %add3A_511 = arith.constant 64 : i32
      %add3A_512 = arith.addi %multiple_of3A_83, %add3A_511 : i32
      %add3A_513 = vector.broadcast %add3A_512 : i32 to vector<16xi32>
      %add3A_514 = arith.addi %add3A_513, %iota3A : vector<16xi32>
      %sub3A_515 = vector.broadcast %sub3A_56 : i32 to vector<16xi32>
      %sub3A_516 = arith.subi %add3A_514, %sub3A_515 : vector<16xi32>
      %ge3A_517 = arith.constant 0 : i32
      %ge3A_518 = vector.broadcast %ge3A_517 : i32 to vector<16xi32>
      %ge3A_519 = arith.cmpi sge, %sub3A_516, %ge3A_518 : vector<16xi32>
      %lt3A_520 = arith.constant 64 : i32
      %lt3A_521 = vector.broadcast %lt3A_520 : i32 to vector<16xi32>
      %lt3A_522 = arith.cmpi slt, %sub3A_516, %lt3A_521 : vector<16xi32>
      %and3A_523 = arith.andi %ge3A_519, %lt3A_522 : vector<16xi1>
      %select_n3A_524 = arith.select %lt3A_108, %gather3A_416, %gather3A_416 : vector<16xi1>, vector<16xf32>
      %get3A_525 = arith.index_cast %add3A_382 : i32 to index
      %get3A_526 = arith.index_cast %add3A_512 : i32 to index
      %get3A_527 = tpu.vector_load %arg8[%get3A_525, %get3A_526] {strides = array<i32>} : memref<72x256xf32, #tpu.memory_space<vmem>>, vector<1x16xf32>,
      %get3A_528 = vector.shape_cast %get3A_527 : vector<1x16xf32> to vector<16xf32>
      %select_n3A_529 = arith.select %and3A_523, %select_n3A_524, %get3A_528 : vector<16xi1>, vector<16xf32>
      %swap3A_530 = arith.index_cast %add3A_382 : i32 to index
      %swap3A_531 = arith.index_cast %add3A_512 : i32 to index
      %swap3A_532 = tpu.vector_load %arg8[%swap3A_530, %swap3A_531] {strides = array<i32>} : memref<72x256xf32, #tpu.memory_space<vmem>>, vector<1x16xf32>,
      %swap3A_533 = vector.shape_cast %swap3A_532 : vector<1x16xf32> to vector<16xf32>
      %swap3A_534 = vector.shape_cast %select_n3A_529 : vector<16xf32> to vector<1x16xf32>
      tpu.vector_store %arg8[%swap3A_530, %swap3A_531], %swap3A_534 {strides = array<i32>} : memref<72x256xf32, #tpu.memory_space<vmem>>, vector<1x16xf32>,
    }
    %scan3A_112 = arith.constant 64 : i32
    %run_scoped3A_113 = arith.constant 0 : i32
    "tpu.region"() ({
      %run_scoped3A_377 = tpu.sem_alloc : memref<!tpu.dma_semaphore, #tpu.memory_space<semaphore_mem>>
      %dma_start3A = tpu.memref_slice %arg2[%add3A_6, %run_scoped3A_113, %multiple_of3A, %multiple_of3A_54] : memref<64x3x512x512xf32, #tpu.memory_space<hbm>> -> memref<1x1x72x256xf32, #tpu.memory_space<hbm>>
      %dma_start3A_378 = tpu.memref_squeeze %dma_start3A : memref<1x1x72x256xf32, #tpu.memory_space<hbm>> -> memref<72x256xf32, #tpu.memory_space<hbm>>
      %dma_start3A_379 = tpu.memref_slice %arg2[%add3A_6, %run_scoped3A_113, %multiple_of3A, %multiple_of3A_54] : memref<64x3x512x512xf32, #tpu.memory_space<hbm>> -> memref<1x1x72x256xf32, #tpu.memory_space<hbm>>
      %dma_start3A_380 = tpu.memref_squeeze %dma_start3A_379 : memref<1x1x72x256xf32, #tpu.memory_space<hbm>> -> memref<72x256xf32, #tpu.memory_space<hbm>>
      tpu.enqueue_dma source(%arg8 : memref<72x256xf32, #tpu.memory_space<vmem>>) target(%dma_start3A_380 : memref<72x256xf32, #tpu.memory_space<hbm>>) target_semaphore(%run_scoped3A_377 : memref<!tpu.dma_semaphore, #tpu.memory_space<semaphore_mem>>)
      %dma_wait3A = tpu.memref_slice %arg2[%add3A_6, %run_scoped3A_113, %multiple_of3A, %multiple_of3A_54] : memref<64x3x512x512xf32, #tpu.memory_space<hbm>> -> memref<1x1x72x256xf32, #tpu.memory_space<hbm>>
      %dma_wait3A_381 = tpu.memref_squeeze %dma_wait3A : memref<1x1x72x256xf32, #tpu.memory_space<hbm>> -> memref<72x256xf32, #tpu.memory_space<hbm>>
      %dma_wait3A_382 = tpu.memref_slice %arg2[%add3A_6, %run_scoped3A_113, %multiple_of3A, %multiple_of3A_54] : memref<64x3x512x512xf32, #tpu.memory_space<hbm>> -> memref<1x1x72x256xf32, #tpu.memory_space<hbm>>
      %dma_wait3A_383 = tpu.memref_squeeze %dma_wait3A_382 : memref<1x1x72x256xf32, #tpu.memory_space<hbm>> -> memref<72x256xf32, #tpu.memory_space<hbm>>
      tpu.wait_dma2 semaphore(%run_scoped3A_377 : memref<!tpu.dma_semaphore, #tpu.memory_space<semaphore_mem>>) src(%arg8 : memref<72x256xf32, #tpu.memory_space<vmem>>) dst(%dma_wait3A_383 : memref<72x256xf32, #tpu.memory_space<hbm>>)
      tpu.yield
    }) : () -> ()
    %run_scoped3A_114 = arith.constant 1 : i32
    "tpu.region"() ({
      %run_scoped3A_377 = tpu.sem_alloc : memref<!tpu.dma_semaphore, #tpu.memory_space<semaphore_mem>>
      %dma_start3A = tpu.memref_slice %arg2[%add3A_6, %run_scoped3A_114, %multiple_of3A, %multiple_of3A_54] : memref<64x3x512x512xf32, #tpu.memory_space<hbm>> -> memref<1x1x72x256xf32, #tpu.memory_space<hbm>>
      %dma_start3A_378 = tpu.memref_squeeze %dma_start3A : memref<1x1x72x256xf32, #tpu.memory_space<hbm>> -> memref<72x256xf32, #tpu.memory_space<hbm>>
      %dma_start3A_379 = tpu.memref_slice %arg2[%add3A_6, %run_scoped3A_114, %multiple_of3A, %multiple_of3A_54] : memref<64x3x512x512xf32, #tpu.memory_space<hbm>> -> memref<1x1x72x256xf32, #tpu.memory_space<hbm>>
      %dma_start3A_380 = tpu.memref_squeeze %dma_start3A_379 : memref<1x1x72x256xf32, #tpu.memory_space<hbm>> -> memref<72x256xf32, #tpu.memory_space<hbm>>
      tpu.enqueue_dma source(%dma_start3A_380 : memref<72x256xf32, #tpu.memory_space<hbm>>) target(%arg8 : memref<72x256xf32, #tpu.memory_space<vmem>>) target_semaphore(%run_scoped3A_377 : memref<!tpu.dma_semaphore, #tpu.memory_space<semaphore_mem>>)
      %dma_wait3A = tpu.memref_slice %arg2[%add3A_6, %run_scoped3A_114, %multiple_of3A, %multiple_of3A_54] : memref<64x3x512x512xf32, #tpu.memory_space<hbm>> -> memref<1x1x72x256xf32, #tpu.memory_space<hbm>>
      %dma_wait3A_381 = tpu.memref_squeeze %dma_wait3A : memref<1x1x72x256xf32, #tpu.memory_space<hbm>> -> memref<72x256xf32, #tpu.memory_space<hbm>>
      %dma_wait3A_382 = tpu.memref_slice %arg2[%add3A_6, %run_scoped3A_114, %multiple_of3A, %multiple_of3A_54] : memref<64x3x512x512xf32, #tpu.memory_space<hbm>> -> memref<1x1x72x256xf32, #tpu.memory_space<hbm>>
      %dma_wait3A_383 = tpu.memref_squeeze %dma_wait3A_382 : memref<1x1x72x256xf32, #tpu.memory_space<hbm>> -> memref<72x256xf32, #tpu.memory_space<hbm>>
      tpu.wait_dma2 semaphore(%run_scoped3A_377 : memref<!tpu.dma_semaphore, #tpu.memory_space<semaphore_mem>>) src(%dma_wait3A_383 : memref<72x256xf32, #tpu.memory_space<hbm>>) dst(%arg8 : memref<72x256xf32, #tpu.memory_space<vmem>>)
      tpu.yield
    }) : () -> ()
    %sub3A_115 = arith.subi %sub3A_56, %multiple_of3A_83 : i32
    %sub3A_116 = vector.broadcast %sub3A_115 : i32 to vector<16xi32>
    %sub3A_117 = arith.subi %iota3A, %sub3A_116 : vector<16xi32>
    %jit3A_118 = arith.constant 16 : i32
    %eq3A_119 = arith.constant 0 : i32
    %eq3A_120 = arith.cmpi eq, %jit3A_118, %eq3A_119 : i32
    %jit3A_121 = arith.constant 1 : i32
    %select_n3A_122 = arith.select %eq3A_120, %jit3A_121, %jit3A_118 : i32
    %rem3A_123 = vector.broadcast %select_n3A_122 : i32 to vector<16xi32>
    %rem3A_124 = arith.remsi %sub3A_117, %rem3A_123 : vector<16xi32>
    %ne3A_125 = arith.constant 0 : i32
    %ne3A_126 = vector.broadcast %ne3A_125 : i32 to vector<16xi32>
    %ne3A_127 = arith.cmpi ne, %rem3A_124, %ne3A_126 : vector<16xi32>
    %lt3A_128 = arith.constant 0 : i32
    %lt3A_129 = vector.broadcast %lt3A_128 : i32 to vector<16xi32>
    %lt3A_130 = arith.cmpi slt, %rem3A_124, %lt3A_129 : vector<16xi32>
    %lt3A_131 = arith.constant 0 : i32
    %lt3A_132 = arith.cmpi slt, %select_n3A_122, %lt3A_131 : i32
    %ne3A_133 = vector.broadcast %lt3A_132 : i1 to vector<16xi1>
    %ne3A_134 = vector.broadcast %ne3A_133 : vector<16xi1> to vector<16xi1>
    %ne3A_135 = arith.xori %lt3A_130, %ne3A_134 : vector<16xi1>
    %and3A_136 = arith.andi %ne3A_135, %ne3A_127 : vector<16xi1>
    %add3A_137 = vector.broadcast %select_n3A_122 : i32 to vector<16xi32>
    %add3A_138 = arith.addi %rem3A_124, %add3A_137 : vector<16xi32>
    %select_n3A_139 = arith.select %and3A_136, %add3A_138, %rem3A_124 : vector<16xi1>, vector<16xi32>
    %lt3A_140 = vector.broadcast %sub3A_115 : i32 to vector<16xi32>
    %lt3A_141 = arith.cmpi slt, %iota3A, %lt3A_140 : vector<16xi32>
    %scan3A_142 = arith.constant 0 : i32
    %scan3A_143 = arith.constant 64 : i32
    %scan3A_144 = arith.addi %scan3A_142, %scan3A_143 : i32
    %scan3A_145 = arith.constant 1 : i32
    scf.for %scan3A_377 = %scan3A_142 to %scan3A_144 step %scan3A_145  : i32 {
      %mul3A_378 = arith.constant 1 : i32
      %mul3A_379 = arith.muli %scan3A_377, %mul3A_378 : i32
      %add3A_380 = arith.constant 0 : i32
      %add3A_381 = arith.addi %add3A_380, %mul3A_379 : i32
      %add3A_382 = arith.addi %sub3A_55, %add3A_381 : i32
      %get3A_383 = arith.constant 1 : i32
      %get3A_384 = arith.index_cast %get3A_383 : i32 to index
      %get3A_385 = arith.index_cast %add3A_381 : i32 to index
      %get3A_386 = arith.constant 0 : index
      %get3A_387 = tpu.vector_load %arg6[%get3A_384, %get3A_385, %get3A_386] {strides = array<i32>} : memref<3x64x64xf32, #tpu.memory_space<vmem>>, vector<1x1x16xf32>,
      %get3A_388 = vector.shape_cast %get3A_387 : vector<1x1x16xf32> to vector<16xf32>
      %get3A_389 = arith.constant 1 : i32
      %get3A_390 = arith.index_cast %get3A_389 : i32 to index
      %get3A_391 = arith.index_cast %add3A_381 : i32 to index
      %get3A_392 = arith.constant 16 : index
      %get3A_393 = tpu.vector_load %arg6[%get3A_390, %get3A_391, %get3A_392] {strides = array<i32>} : memref<3x64x64xf32, #tpu.memory_space<vmem>>, vector<1x1x16xf32>,
      %get3A_394 = vector.shape_cast %get3A_393 : vector<1x1x16xf32> to vector<16xf32>
      %get3A_395 = arith.constant 1 : i32
      %get3A_396 = arith.index_cast %get3A_395 : i32 to index
      %get3A_397 = arith.index_cast %add3A_381 : i32 to index
      %get3A_398 = arith.constant 32 : index
      %get3A_399 = tpu.vector_load %arg6[%get3A_396, %get3A_397, %get3A_398] {strides = array<i32>} : memref<3x64x64xf32, #tpu.memory_space<vmem>>, vector<1x1x16xf32>,
      %get3A_400 = vector.shape_cast %get3A_399 : vector<1x1x16xf32> to vector<16xf32>
      %get3A_401 = arith.constant 1 : i32
      %get3A_402 = arith.index_cast %get3A_401 : i32 to index
      %get3A_403 = arith.index_cast %add3A_381 : i32 to index
      %get3A_404 = arith.constant 48 : index
      %get3A_405 = tpu.vector_load %arg6[%get3A_402, %get3A_403, %get3A_404] {strides = array<i32>} : memref<3x64x64xf32, #tpu.memory_space<vmem>>, vector<1x1x16xf32>,
      %get3A_406 = vector.shape_cast %get3A_405 : vector<1x1x16xf32> to vector<16xf32>
      %broadcast_in_dim3A = vector.shape_cast %select_n3A_139 : vector<16xi32> to vector<16x1xi32>
      %gather3A = vector.shape_cast %broadcast_in_dim3A : vector<16x1xi32> to vector<16xi32>
      %gather3A_407 = tpu.dynamic_gather %get3A_388[%gather3A] in [0] : vector<16xf32>, vector<16xi32> -> vector<16xf32>
      %broadcast_in_dim3A_408 = vector.shape_cast %select_n3A_139 : vector<16xi32> to vector<16x1xi32>
      %gather3A_409 = vector.shape_cast %broadcast_in_dim3A_408 : vector<16x1xi32> to vector<16xi32>
      %gather3A_410 = tpu.dynamic_gather %get3A_394[%gather3A_409] in [0] : vector<16xf32>, vector<16xi32> -> vector<16xf32>
      %broadcast_in_dim3A_411 = vector.shape_cast %select_n3A_139 : vector<16xi32> to vector<16x1xi32>
      %gather3A_412 = vector.shape_cast %broadcast_in_dim3A_411 : vector<16x1xi32> to vector<16xi32>
      %gather3A_413 = tpu.dynamic_gather %get3A_400[%gather3A_412] in [0] : vector<16xf32>, vector<16xi32> -> vector<16xf32>
      %broadcast_in_dim3A_414 = vector.shape_cast %select_n3A_139 : vector<16xi32> to vector<16x1xi32>
      %gather3A_415 = vector.shape_cast %broadcast_in_dim3A_414 : vector<16x1xi32> to vector<16xi32>
      %gather3A_416 = tpu.dynamic_gather %get3A_406[%gather3A_415] in [0] : vector<16xf32>, vector<16xi32> -> vector<16xf32>
      %add3A_417 = arith.constant 0 : i32
      %add3A_418 = arith.addi %multiple_of3A_83, %add3A_417 : i32
      %add3A_419 = vector.broadcast %add3A_418 : i32 to vector<16xi32>
      %add3A_420 = arith.addi %add3A_419, %iota3A : vector<16xi32>
      %sub3A_421 = vector.broadcast %sub3A_56 : i32 to vector<16xi32>
      %sub3A_422 = arith.subi %add3A_420, %sub3A_421 : vector<16xi32>
      %ge3A = arith.constant 0 : i32
      %ge3A_423 = vector.broadcast %ge3A : i32 to vector<16xi32>
      %ge3A_424 = arith.cmpi sge, %sub3A_422, %ge3A_423 : vector<16xi32>
      %lt3A_425 = arith.constant 64 : i32
      %lt3A_426 = vector.broadcast %lt3A_425 : i32 to vector<16xi32>
      %lt3A_427 = arith.cmpi slt, %sub3A_422, %lt3A_426 : vector<16xi32>
      %and3A_428 = arith.andi %ge3A_424, %lt3A_427 : vector<16xi1>
      %select_n3A_429 = arith.select %lt3A_141, %gather3A_407, %gather3A_407 : vector<16xi1>, vector<16xf32>
      %get3A_430 = arith.index_cast %add3A_382 : i32 to index
      %get3A_431 = arith.index_cast %add3A_418 : i32 to index
      %get3A_432 = tpu.vector_load %arg8[%get3A_430, %get3A_431] {strides = array<i32>} : memref<72x256xf32, #tpu.memory_space<vmem>>, vector<1x16xf32>,
      %get3A_433 = vector.shape_cast %get3A_432 : vector<1x16xf32> to vector<16xf32>
      %select_n3A_434 = arith.select %and3A_428, %select_n3A_429, %get3A_433 : vector<16xi1>, vector<16xf32>
      %swap3A = arith.index_cast %add3A_382 : i32 to index
      %swap3A_435 = arith.index_cast %add3A_418 : i32 to index
      %swap3A_436 = tpu.vector_load %arg8[%swap3A, %swap3A_435] {strides = array<i32>} : memref<72x256xf32, #tpu.memory_space<vmem>>, vector<1x16xf32>,
      %swap3A_437 = vector.shape_cast %swap3A_436 : vector<1x16xf32> to vector<16xf32>
      %swap3A_438 = vector.shape_cast %select_n3A_434 : vector<16xf32> to vector<1x16xf32>
      tpu.vector_store %arg8[%swap3A, %swap3A_435], %swap3A_438 {strides = array<i32>} : memref<72x256xf32, #tpu.memory_space<vmem>>, vector<1x16xf32>,
      %add3A_439 = arith.constant 16 : i32
      %add3A_440 = arith.addi %multiple_of3A_83, %add3A_439 : i32
      %add3A_441 = vector.broadcast %add3A_440 : i32 to vector<16xi32>
      %add3A_442 = arith.addi %add3A_441, %iota3A : vector<16xi32>
      %sub3A_443 = vector.broadcast %sub3A_56 : i32 to vector<16xi32>
      %sub3A_444 = arith.subi %add3A_442, %sub3A_443 : vector<16xi32>
      %ge3A_445 = arith.constant 0 : i32
      %ge3A_446 = vector.broadcast %ge3A_445 : i32 to vector<16xi32>
      %ge3A_447 = arith.cmpi sge, %sub3A_444, %ge3A_446 : vector<16xi32>
      %lt3A_448 = arith.constant 64 : i32
      %lt3A_449 = vector.broadcast %lt3A_448 : i32 to vector<16xi32>
      %lt3A_450 = arith.cmpi slt, %sub3A_444, %lt3A_449 : vector<16xi32>
      %and3A_451 = arith.andi %ge3A_447, %lt3A_450 : vector<16xi1>
      %select_n3A_452 = arith.select %lt3A_141, %gather3A_407, %gather3A_410 : vector<16xi1>, vector<16xf32>
      %get3A_453 = arith.index_cast %add3A_382 : i32 to index
      %get3A_454 = arith.index_cast %add3A_440 : i32 to index
      %get3A_455 = tpu.vector_load %arg8[%get3A_453, %get3A_454] {strides = array<i32>} : memref<72x256xf32, #tpu.memory_space<vmem>>, vector<1x16xf32>,
      %get3A_456 = vector.shape_cast %get3A_455 : vector<1x16xf32> to vector<16xf32>
      %select_n3A_457 = arith.select %and3A_451, %select_n3A_452, %get3A_456 : vector<16xi1>, vector<16xf32>
      %swap3A_458 = arith.index_cast %add3A_382 : i32 to index
      %swap3A_459 = arith.index_cast %add3A_440 : i32 to index
      %swap3A_460 = tpu.vector_load %arg8[%swap3A_458, %swap3A_459] {strides = array<i32>} : memref<72x256xf32, #tpu.memory_space<vmem>>, vector<1x16xf32>,
      %swap3A_461 = vector.shape_cast %swap3A_460 : vector<1x16xf32> to vector<16xf32>
      %swap3A_462 = vector.shape_cast %select_n3A_457 : vector<16xf32> to vector<1x16xf32>
      tpu.vector_store %arg8[%swap3A_458, %swap3A_459], %swap3A_462 {strides = array<i32>} : memref<72x256xf32, #tpu.memory_space<vmem>>, vector<1x16xf32>,
      %add3A_463 = arith.constant 32 : i32
      %add3A_464 = arith.addi %multiple_of3A_83, %add3A_463 : i32
      %add3A_465 = vector.broadcast %add3A_464 : i32 to vector<16xi32>
      %add3A_466 = arith.addi %add3A_465, %iota3A : vector<16xi32>
      %sub3A_467 = vector.broadcast %sub3A_56 : i32 to vector<16xi32>
      %sub3A_468 = arith.subi %add3A_466, %sub3A_467 : vector<16xi32>
      %ge3A_469 = arith.constant 0 : i32
      %ge3A_470 = vector.broadcast %ge3A_469 : i32 to vector<16xi32>
      %ge3A_471 = arith.cmpi sge, %sub3A_468, %ge3A_470 : vector<16xi32>
      %lt3A_472 = arith.constant 64 : i32
      %lt3A_473 = vector.broadcast %lt3A_472 : i32 to vector<16xi32>
      %lt3A_474 = arith.cmpi slt, %sub3A_468, %lt3A_473 : vector<16xi32>
      %and3A_475 = arith.andi %ge3A_471, %lt3A_474 : vector<16xi1>
      %select_n3A_476 = arith.select %lt3A_141, %gather3A_410, %gather3A_413 : vector<16xi1>, vector<16xf32>
      %get3A_477 = arith.index_cast %add3A_382 : i32 to index
      %get3A_478 = arith.index_cast %add3A_464 : i32 to index
      %get3A_479 = tpu.vector_load %arg8[%get3A_477, %get3A_478] {strides = array<i32>} : memref<72x256xf32, #tpu.memory_space<vmem>>, vector<1x16xf32>,
      %get3A_480 = vector.shape_cast %get3A_479 : vector<1x16xf32> to vector<16xf32>
      %select_n3A_481 = arith.select %and3A_475, %select_n3A_476, %get3A_480 : vector<16xi1>, vector<16xf32>
      %swap3A_482 = arith.index_cast %add3A_382 : i32 to index
      %swap3A_483 = arith.index_cast %add3A_464 : i32 to index
      %swap3A_484 = tpu.vector_load %arg8[%swap3A_482, %swap3A_483] {strides = array<i32>} : memref<72x256xf32, #tpu.memory_space<vmem>>, vector<1x16xf32>,
      %swap3A_485 = vector.shape_cast %swap3A_484 : vector<1x16xf32> to vector<16xf32>
      %swap3A_486 = vector.shape_cast %select_n3A_481 : vector<16xf32> to vector<1x16xf32>
      tpu.vector_store %arg8[%swap3A_482, %swap3A_483], %swap3A_486 {strides = array<i32>} : memref<72x256xf32, #tpu.memory_space<vmem>>, vector<1x16xf32>,
      %add3A_487 = arith.constant 48 : i32
      %add3A_488 = arith.addi %multiple_of3A_83, %add3A_487 : i32
      %add3A_489 = vector.broadcast %add3A_488 : i32 to vector<16xi32>
      %add3A_490 = arith.addi %add3A_489, %iota3A : vector<16xi32>
      %sub3A_491 = vector.broadcast %sub3A_56 : i32 to vector<16xi32>
      %sub3A_492 = arith.subi %add3A_490, %sub3A_491 : vector<16xi32>
      %ge3A_493 = arith.constant 0 : i32
      %ge3A_494 = vector.broadcast %ge3A_493 : i32 to vector<16xi32>
      %ge3A_495 = arith.cmpi sge, %sub3A_492, %ge3A_494 : vector<16xi32>
      %lt3A_496 = arith.constant 64 : i32
      %lt3A_497 = vector.broadcast %lt3A_496 : i32 to vector<16xi32>
      %lt3A_498 = arith.cmpi slt, %sub3A_492, %lt3A_497 : vector<16xi32>
      %and3A_499 = arith.andi %ge3A_495, %lt3A_498 : vector<16xi1>
      %select_n3A_500 = arith.select %lt3A_141, %gather3A_413, %gather3A_416 : vector<16xi1>, vector<16xf32>
      %get3A_501 = arith.index_cast %add3A_382 : i32 to index
      %get3A_502 = arith.index_cast %add3A_488 : i32 to index
      %get3A_503 = tpu.vector_load %arg8[%get3A_501, %get3A_502] {strides = array<i32>} : memref<72x256xf32, #tpu.memory_space<vmem>>, vector<1x16xf32>,
      %get3A_504 = vector.shape_cast %get3A_503 : vector<1x16xf32> to vector<16xf32>
      %select_n3A_505 = arith.select %and3A_499, %select_n3A_500, %get3A_504 : vector<16xi1>, vector<16xf32>
      %swap3A_506 = arith.index_cast %add3A_382 : i32 to index
      %swap3A_507 = arith.index_cast %add3A_488 : i32 to index
      %swap3A_508 = tpu.vector_load %arg8[%swap3A_506, %swap3A_507] {strides = array<i32>} : memref<72x256xf32, #tpu.memory_space<vmem>>, vector<1x16xf32>,
      %swap3A_509 = vector.shape_cast %swap3A_508 : vector<1x16xf32> to vector<16xf32>
      %swap3A_510 = vector.shape_cast %select_n3A_505 : vector<16xf32> to vector<1x16xf32>
      tpu.vector_store %arg8[%swap3A_506, %swap3A_507], %swap3A_510 {strides = array<i32>} : memref<72x256xf32, #tpu.memory_space<vmem>>, vector<1x16xf32>,
      %add3A_511 = arith.constant 64 : i32
      %add3A_512 = arith.addi %multiple_of3A_83, %add3A_511 : i32
      %add3A_513 = vector.broadcast %add3A_512 : i32 to vector<16xi32>
      %add3A_514 = arith.addi %add3A_513, %iota3A : vector<16xi32>
      %sub3A_515 = vector.broadcast %sub3A_56 : i32 to vector<16xi32>
      %sub3A_516 = arith.subi %add3A_514, %sub3A_515 : vector<16xi32>
      %ge3A_517 = arith.constant 0 : i32
      %ge3A_518 = vector.broadcast %ge3A_517 : i32 to vector<16xi32>
      %ge3A_519 = arith.cmpi sge, %sub3A_516, %ge3A_518 : vector<16xi32>
      %lt3A_520 = arith.constant 64 : i32
      %lt3A_521 = vector.broadcast %lt3A_520 : i32 to vector<16xi32>
      %lt3A_522 = arith.cmpi slt, %sub3A_516, %lt3A_521 : vector<16xi32>
      %and3A_523 = arith.andi %ge3A_519, %lt3A_522 : vector<16xi1>
      %select_n3A_524 = arith.select %lt3A_141, %gather3A_416, %gather3A_416 : vector<16xi1>, vector<16xf32>
      %get3A_525 = arith.index_cast %add3A_382 : i32 to index
      %get3A_526 = arith.index_cast %add3A_512 : i32 to index
      %get3A_527 = tpu.vector_load %arg8[%get3A_525, %get3A_526] {strides = array<i32>} : memref<72x256xf32, #tpu.memory_space<vmem>>, vector<1x16xf32>,
      %get3A_528 = vector.shape_cast %get3A_527 : vector<1x16xf32> to vector<16xf32>
      %select_n3A_529 = arith.select %and3A_523, %select_n3A_524, %get3A_528 : vector<16xi1>, vector<16xf32>
      %swap3A_530 = arith.index_cast %add3A_382 : i32 to index
      %swap3A_531 = arith.index_cast %add3A_512 : i32 to index
      %swap3A_532 = tpu.vector_load %arg8[%swap3A_530, %swap3A_531] {strides = array<i32>} : memref<72x256xf32, #tpu.memory_space<vmem>>, vector<1x16xf32>,
      %swap3A_533 = vector.shape_cast %swap3A_532 : vector<1x16xf32> to vector<16xf32>
      %swap3A_534 = vector.shape_cast %select_n3A_529 : vector<16xf32> to vector<1x16xf32>
      tpu.vector_store %arg8[%swap3A_530, %swap3A_531], %swap3A_534 {strides = array<i32>} : memref<72x256xf32, #tpu.memory_space<vmem>>, vector<1x16xf32>,
    }
    %scan3A_146 = arith.constant 64 : i32
    %run_scoped3A_147 = arith.constant 1 : i32
    "tpu.region"() ({
      %run_scoped3A_377 = tpu.sem_alloc : memref<!tpu.dma_semaphore, #tpu.memory_space<semaphore_mem>>
      %dma_start3A = tpu.memref_slice %arg2[%add3A_6, %run_scoped3A_147, %multiple_of3A, %multiple_of3A_54] : memref<64x3x512x512xf32, #tpu.memory_space<hbm>> -> memref<1x1x72x256xf32, #tpu.memory_space<hbm>>
      %dma_start3A_378 = tpu.memref_squeeze %dma_start3A : memref<1x1x72x256xf32, #tpu.memory_space<hbm>> -> memref<72x256xf32, #tpu.memory_space<hbm>>
      %dma_start3A_379 = tpu.memref_slice %arg2[%add3A_6, %run_scoped3A_147, %multiple_of3A, %multiple_of3A_54] : memref<64x3x512x512xf32, #tpu.memory_space<hbm>> -> memref<1x1x72x256xf32, #tpu.memory_space<hbm>>
      %dma_start3A_380 = tpu.memref_squeeze %dma_start3A_379 : memref<1x1x72x256xf32, #tpu.memory_space<hbm>> -> memref<72x256xf32, #tpu.memory_space<hbm>>
      tpu.enqueue_dma source(%arg8 : memref<72x256xf32, #tpu.memory_space<vmem>>) target(%dma_start3A_380 : memref<72x256xf32, #tpu.memory_space<hbm>>) target_semaphore(%run_scoped3A_377 : memref<!tpu.dma_semaphore, #tpu.memory_space<semaphore_mem>>)
      %dma_wait3A = tpu.memref_slice %arg2[%add3A_6, %run_scoped3A_147, %multiple_of3A, %multiple_of3A_54] : memref<64x3x512x512xf32, #tpu.memory_space<hbm>> -> memref<1x1x72x256xf32, #tpu.memory_space<hbm>>
      %dma_wait3A_381 = tpu.memref_squeeze %dma_wait3A : memref<1x1x72x256xf32, #tpu.memory_space<hbm>> -> memref<72x256xf32, #tpu.memory_space<hbm>>
      %dma_wait3A_382 = tpu.memref_slice %arg2[%add3A_6, %run_scoped3A_147, %multiple_of3A, %multiple_of3A_54] : memref<64x3x512x512xf32, #tpu.memory_space<hbm>> -> memref<1x1x72x256xf32, #tpu.memory_space<hbm>>
      %dma_wait3A_383 = tpu.memref_squeeze %dma_wait3A_382 : memref<1x1x72x256xf32, #tpu.memory_space<hbm>> -> memref<72x256xf32, #tpu.memory_space<hbm>>
      tpu.wait_dma2 semaphore(%run_scoped3A_377 : memref<!tpu.dma_semaphore, #tpu.memory_space<semaphore_mem>>) src(%arg8 : memref<72x256xf32, #tpu.memory_space<vmem>>) dst(%dma_wait3A_383 : memref<72x256xf32, #tpu.memory_space<hbm>>)
      tpu.yield
    }) : () -> ()
    %run_scoped3A_148 = arith.constant 2 : i32
    "tpu.region"() ({
      %run_scoped3A_377 = tpu.sem_alloc : memref<!tpu.dma_semaphore, #tpu.memory_space<semaphore_mem>>
      %dma_start3A = tpu.memref_slice %arg2[%add3A_6, %run_scoped3A_148, %multiple_of3A, %multiple_of3A_54] : memref<64x3x512x512xf32, #tpu.memory_space<hbm>> -> memref<1x1x72x256xf32, #tpu.memory_space<hbm>>
      %dma_start3A_378 = tpu.memref_squeeze %dma_start3A : memref<1x1x72x256xf32, #tpu.memory_space<hbm>> -> memref<72x256xf32, #tpu.memory_space<hbm>>
      %dma_start3A_379 = tpu.memref_slice %arg2[%add3A_6, %run_scoped3A_148, %multiple_of3A, %multiple_of3A_54] : memref<64x3x512x512xf32, #tpu.memory_space<hbm>> -> memref<1x1x72x256xf32, #tpu.memory_space<hbm>>
      %dma_start3A_380 = tpu.memref_squeeze %dma_start3A_379 : memref<1x1x72x256xf32, #tpu.memory_space<hbm>> -> memref<72x256xf32, #tpu.memory_space<hbm>>
      tpu.enqueue_dma source(%dma_start3A_380 : memref<72x256xf32, #tpu.memory_space<hbm>>) target(%arg8 : memref<72x256xf32, #tpu.memory_space<vmem>>) target_semaphore(%run_scoped3A_377 : memref<!tpu.dma_semaphore, #tpu.memory_space<semaphore_mem>>)
      %dma_wait3A = tpu.memref_slice %arg2[%add3A_6, %run_scoped3A_148, %multiple_of3A, %multiple_of3A_54] : memref<64x3x512x512xf32, #tpu.memory_space<hbm>> -> memref<1x1x72x256xf32, #tpu.memory_space<hbm>>
      %dma_wait3A_381 = tpu.memref_squeeze %dma_wait3A : memref<1x1x72x256xf32, #tpu.memory_space<hbm>> -> memref<72x256xf32, #tpu.memory_space<hbm>>
      %dma_wait3A_382 = tpu.memref_slice %arg2[%add3A_6, %run_scoped3A_148, %multiple_of3A, %multiple_of3A_54] : memref<64x3x512x512xf32, #tpu.memory_space<hbm>> -> memref<1x1x72x256xf32, #tpu.memory_space<hbm>>
      %dma_wait3A_383 = tpu.memref_squeeze %dma_wait3A_382 : memref<1x1x72x256xf32, #tpu.memory_space<hbm>> -> memref<72x256xf32, #tpu.memory_space<hbm>>
      tpu.wait_dma2 semaphore(%run_scoped3A_377 : memref<!tpu.dma_semaphore, #tpu.memory_space<semaphore_mem>>) src(%dma_wait3A_383 : memref<72x256xf32, #tpu.memory_space<hbm>>) dst(%arg8 : memref<72x256xf32, #tpu.memory_space<vmem>>)
      tpu.yield
    }) : () -> ()
    %sub3A_149 = arith.subi %sub3A_56, %multiple_of3A_83 : i32
    %sub3A_150 = vector.broadcast %sub3A_149 : i32 to vector<16xi32>
    %sub3A_151 = arith.subi %iota3A, %sub3A_150 : vector<16xi32>
    %jit3A_152 = arith.constant 16 : i32
    %eq3A_153 = arith.constant 0 : i32
    %eq3A_154 = arith.cmpi eq, %jit3A_152, %eq3A_153 : i32
    %jit3A_155 = arith.constant 1 : i32
    %select_n3A_156 = arith.select %eq3A_154, %jit3A_155, %jit3A_152 : i32
    %rem3A_157 = vector.broadcast %select_n3A_156 : i32 to vector<16xi32>
    %rem3A_158 = arith.remsi %sub3A_151, %rem3A_157 : vector<16xi32>
    %ne3A_159 = arith.constant 0 : i32
    %ne3A_160 = vector.broadcast %ne3A_159 : i32 to vector<16xi32>
    %ne3A_161 = arith.cmpi ne, %rem3A_158, %ne3A_160 : vector<16xi32>
    %lt3A_162 = arith.constant 0 : i32
    %lt3A_163 = vector.broadcast %lt3A_162 : i32 to vector<16xi32>
    %lt3A_164 = arith.cmpi slt, %rem3A_158, %lt3A_163 : vector<16xi32>
    %lt3A_165 = arith.constant 0 : i32
    %lt3A_166 = arith.cmpi slt, %select_n3A_156, %lt3A_165 : i32
    %ne3A_167 = vector.broadcast %lt3A_166 : i1 to vector<16xi1>
    %ne3A_168 = vector.broadcast %ne3A_167 : vector<16xi1> to vector<16xi1>
    %ne3A_169 = arith.xori %lt3A_164, %ne3A_168 : vector<16xi1>
    %and3A_170 = arith.andi %ne3A_169, %ne3A_161 : vector<16xi1>
    %add3A_171 = vector.broadcast %select_n3A_156 : i32 to vector<16xi32>
    %add3A_172 = arith.addi %rem3A_158, %add3A_171 : vector<16xi32>
    %select_n3A_173 = arith.select %and3A_170, %add3A_172, %rem3A_158 : vector<16xi1>, vector<16xi32>
    %lt3A_174 = vector.broadcast %sub3A_149 : i32 to vector<16xi32>
    %lt3A_175 = arith.cmpi slt, %iota3A, %lt3A_174 : vector<16xi32>
    %scan3A_176 = arith.constant 0 : i32
    %scan3A_177 = arith.constant 64 : i32
    %scan3A_178 = arith.addi %scan3A_176, %scan3A_177 : i32
    %scan3A_179 = arith.constant 1 : i32
    scf.for %scan3A_377 = %scan3A_176 to %scan3A_178 step %scan3A_179  : i32 {
      %mul3A_378 = arith.constant 1 : i32
      %mul3A_379 = arith.muli %scan3A_377, %mul3A_378 : i32
      %add3A_380 = arith.constant 0 : i32
      %add3A_381 = arith.addi %add3A_380, %mul3A_379 : i32
      %add3A_382 = arith.addi %sub3A_55, %add3A_381 : i32
      %get3A_383 = arith.constant 2 : i32
      %get3A_384 = arith.index_cast %get3A_383 : i32 to index
      %get3A_385 = arith.index_cast %add3A_381 : i32 to index
      %get3A_386 = arith.constant 0 : index
      %get3A_387 = tpu.vector_load %arg6[%get3A_384, %get3A_385, %get3A_386] {strides = array<i32>} : memref<3x64x64xf32, #tpu.memory_space<vmem>>, vector<1x1x16xf32>,
      %get3A_388 = vector.shape_cast %get3A_387 : vector<1x1x16xf32> to vector<16xf32>
      %get3A_389 = arith.constant 2 : i32
      %get3A_390 = arith.index_cast %get3A_389 : i32 to index
      %get3A_391 = arith.index_cast %add3A_381 : i32 to index
      %get3A_392 = arith.constant 16 : index
      %get3A_393 = tpu.vector_load %arg6[%get3A_390, %get3A_391, %get3A_392] {strides = array<i32>} : memref<3x64x64xf32, #tpu.memory_space<vmem>>, vector<1x1x16xf32>,
      %get3A_394 = vector.shape_cast %get3A_393 : vector<1x1x16xf32> to vector<16xf32>
      %get3A_395 = arith.constant 2 : i32
      %get3A_396 = arith.index_cast %get3A_395 : i32 to index
      %get3A_397 = arith.index_cast %add3A_381 : i32 to index
      %get3A_398 = arith.constant 32 : index
      %get3A_399 = tpu.vector_load %arg6[%get3A_396, %get3A_397, %get3A_398] {strides = array<i32>} : memref<3x64x64xf32, #tpu.memory_space<vmem>>, vector<1x1x16xf32>,
      %get3A_400 = vector.shape_cast %get3A_399 : vector<1x1x16xf32> to vector<16xf32>
      %get3A_401 = arith.constant 2 : i32
      %get3A_402 = arith.index_cast %get3A_401 : i32 to index
      %get3A_403 = arith.index_cast %add3A_381 : i32 to index
      %get3A_404 = arith.constant 48 : index
      %get3A_405 = tpu.vector_load %arg6[%get3A_402, %get3A_403, %get3A_404] {strides = array<i32>} : memref<3x64x64xf32, #tpu.memory_space<vmem>>, vector<1x1x16xf32>,
      %get3A_406 = vector.shape_cast %get3A_405 : vector<1x1x16xf32> to vector<16xf32>
      %broadcast_in_dim3A = vector.shape_cast %select_n3A_173 : vector<16xi32> to vector<16x1xi32>
      %gather3A = vector.shape_cast %broadcast_in_dim3A : vector<16x1xi32> to vector<16xi32>
      %gather3A_407 = tpu.dynamic_gather %get3A_388[%gather3A] in [0] : vector<16xf32>, vector<16xi32> -> vector<16xf32>
      %broadcast_in_dim3A_408 = vector.shape_cast %select_n3A_173 : vector<16xi32> to vector<16x1xi32>
      %gather3A_409 = vector.shape_cast %broadcast_in_dim3A_408 : vector<16x1xi32> to vector<16xi32>
      %gather3A_410 = tpu.dynamic_gather %get3A_394[%gather3A_409] in [0] : vector<16xf32>, vector<16xi32> -> vector<16xf32>
      %broadcast_in_dim3A_411 = vector.shape_cast %select_n3A_173 : vector<16xi32> to vector<16x1xi32>
      %gather3A_412 = vector.shape_cast %broadcast_in_dim3A_411 : vector<16x1xi32> to vector<16xi32>
      %gather3A_413 = tpu.dynamic_gather %get3A_400[%gather3A_412] in [0] : vector<16xf32>, vector<16xi32> -> vector<16xf32>
      %broadcast_in_dim3A_414 = vector.shape_cast %select_n3A_173 : vector<16xi32> to vector<16x1xi32>
      %gather3A_415 = vector.shape_cast %broadcast_in_dim3A_414 : vector<16x1xi32> to vector<16xi32>
      %gather3A_416 = tpu.dynamic_gather %get3A_406[%gather3A_415] in [0] : vector<16xf32>, vector<16xi32> -> vector<16xf32>
      %add3A_417 = arith.constant 0 : i32
      %add3A_418 = arith.addi %multiple_of3A_83, %add3A_417 : i32
      %add3A_419 = vector.broadcast %add3A_418 : i32 to vector<16xi32>
      %add3A_420 = arith.addi %add3A_419, %iota3A : vector<16xi32>
      %sub3A_421 = vector.broadcast %sub3A_56 : i32 to vector<16xi32>
      %sub3A_422 = arith.subi %add3A_420, %sub3A_421 : vector<16xi32>
      %ge3A = arith.constant 0 : i32
      %ge3A_423 = vector.broadcast %ge3A : i32 to vector<16xi32>
      %ge3A_424 = arith.cmpi sge, %sub3A_422, %ge3A_423 : vector<16xi32>
      %lt3A_425 = arith.constant 64 : i32
      %lt3A_426 = vector.broadcast %lt3A_425 : i32 to vector<16xi32>
      %lt3A_427 = arith.cmpi slt, %sub3A_422, %lt3A_426 : vector<16xi32>
      %and3A_428 = arith.andi %ge3A_424, %lt3A_427 : vector<16xi1>
      %select_n3A_429 = arith.select %lt3A_175, %gather3A_407, %gather3A_407 : vector<16xi1>, vector<16xf32>
      %get3A_430 = arith.index_cast %add3A_382 : i32 to index
      %get3A_431 = arith.index_cast %add3A_418 : i32 to index
      %get3A_432 = tpu.vector_load %arg8[%get3A_430, %get3A_431] {strides = array<i32>} : memref<72x256xf32, #tpu.memory_space<vmem>>, vector<1x16xf32>,
      %get3A_433 = vector.shape_cast %get3A_432 : vector<1x16xf32> to vector<16xf32>
      %select_n3A_434 = arith.select %and3A_428, %select_n3A_429, %get3A_433 : vector<16xi1>, vector<16xf32>
      %swap3A = arith.index_cast %add3A_382 : i32 to index
      %swap3A_435 = arith.index_cast %add3A_418 : i32 to index
      %swap3A_436 = tpu.vector_load %arg8[%swap3A, %swap3A_435] {strides = array<i32>} : memref<72x256xf32, #tpu.memory_space<vmem>>, vector<1x16xf32>,
      %swap3A_437 = vector.shape_cast %swap3A_436 : vector<1x16xf32> to vector<16xf32>
      %swap3A_438 = vector.shape_cast %select_n3A_434 : vector<16xf32> to vector<1x16xf32>
      tpu.vector_store %arg8[%swap3A, %swap3A_435], %swap3A_438 {strides = array<i32>} : memref<72x256xf32, #tpu.memory_space<vmem>>, vector<1x16xf32>,
      %add3A_439 = arith.constant 16 : i32
      %add3A_440 = arith.addi %multiple_of3A_83, %add3A_439 : i32
      %add3A_441 = vector.broadcast %add3A_440 : i32 to vector<16xi32>
      %add3A_442 = arith.addi %add3A_441, %iota3A : vector<16xi32>
      %sub3A_443 = vector.broadcast %sub3A_56 : i32 to vector<16xi32>
      %sub3A_444 = arith.subi %add3A_442, %sub3A_443 : vector<16xi32>
      %ge3A_445 = arith.constant 0 : i32
      %ge3A_446 = vector.broadcast %ge3A_445 : i32 to vector<16xi32>
      %ge3A_447 = arith.cmpi sge, %sub3A_444, %ge3A_446 : vector<16xi32>
      %lt3A_448 = arith.constant 64 : i32
      %lt3A_449 = vector.broadcast %lt3A_448 : i32 to vector<16xi32>
      %lt3A_450 = arith.cmpi slt, %sub3A_444, %lt3A_449 : vector<16xi32>
      %and3A_451 = arith.andi %ge3A_447, %lt3A_450 : vector<16xi1>
      %select_n3A_452 = arith.select %lt3A_175, %gather3A_407, %gather3A_410 : vector<16xi1>, vector<16xf32>
      %get3A_453 = arith.index_cast %add3A_382 : i32 to index
      %get3A_454 = arith.index_cast %add3A_440 : i32 to index
      %get3A_455 = tpu.vector_load %arg8[%get3A_453, %get3A_454] {strides = array<i32>} : memref<72x256xf32, #tpu.memory_space<vmem>>, vector<1x16xf32>,
      %get3A_456 = vector.shape_cast %get3A_455 : vector<1x16xf32> to vector<16xf32>
      %select_n3A_457 = arith.select %and3A_451, %select_n3A_452, %get3A_456 : vector<16xi1>, vector<16xf32>
      %swap3A_458 = arith.index_cast %add3A_382 : i32 to index
      %swap3A_459 = arith.index_cast %add3A_440 : i32 to index
      %swap3A_460 = tpu.vector_load %arg8[%swap3A_458, %swap3A_459] {strides = array<i32>} : memref<72x256xf32, #tpu.memory_space<vmem>>, vector<1x16xf32>,
      %swap3A_461 = vector.shape_cast %swap3A_460 : vector<1x16xf32> to vector<16xf32>
      %swap3A_462 = vector.shape_cast %select_n3A_457 : vector<16xf32> to vector<1x16xf32>
      tpu.vector_store %arg8[%swap3A_458, %swap3A_459], %swap3A_462 {strides = array<i32>} : memref<72x256xf32, #tpu.memory_space<vmem>>, vector<1x16xf32>,
      %add3A_463 = arith.constant 32 : i32
      %add3A_464 = arith.addi %multiple_of3A_83, %add3A_463 : i32
      %add3A_465 = vector.broadcast %add3A_464 : i32 to vector<16xi32>
      %add3A_466 = arith.addi %add3A_465, %iota3A : vector<16xi32>
      %sub3A_467 = vector.broadcast %sub3A_56 : i32 to vector<16xi32>
      %sub3A_468 = arith.subi %add3A_466, %sub3A_467 : vector<16xi32>
      %ge3A_469 = arith.constant 0 : i32
      %ge3A_470 = vector.broadcast %ge3A_469 : i32 to vector<16xi32>
      %ge3A_471 = arith.cmpi sge, %sub3A_468, %ge3A_470 : vector<16xi32>
      %lt3A_472 = arith.constant 64 : i32
      %lt3A_473 = vector.broadcast %lt3A_472 : i32 to vector<16xi32>
      %lt3A_474 = arith.cmpi slt, %sub3A_468, %lt3A_473 : vector<16xi32>
      %and3A_475 = arith.andi %ge3A_471, %lt3A_474 : vector<16xi1>
      %select_n3A_476 = arith.select %lt3A_175, %gather3A_410, %gather3A_413 : vector<16xi1>, vector<16xf32>
      %get3A_477 = arith.index_cast %add3A_382 : i32 to index
      %get3A_478 = arith.index_cast %add3A_464 : i32 to index
      %get3A_479 = tpu.vector_load %arg8[%get3A_477, %get3A_478] {strides = array<i32>} : memref<72x256xf32, #tpu.memory_space<vmem>>, vector<1x16xf32>,
      %get3A_480 = vector.shape_cast %get3A_479 : vector<1x16xf32> to vector<16xf32>
      %select_n3A_481 = arith.select %and3A_475, %select_n3A_476, %get3A_480 : vector<16xi1>, vector<16xf32>
      %swap3A_482 = arith.index_cast %add3A_382 : i32 to index
      %swap3A_483 = arith.index_cast %add3A_464 : i32 to index
      %swap3A_484 = tpu.vector_load %arg8[%swap3A_482, %swap3A_483] {strides = array<i32>} : memref<72x256xf32, #tpu.memory_space<vmem>>, vector<1x16xf32>,
      %swap3A_485 = vector.shape_cast %swap3A_484 : vector<1x16xf32> to vector<16xf32>
      %swap3A_486 = vector.shape_cast %select_n3A_481 : vector<16xf32> to vector<1x16xf32>
      tpu.vector_store %arg8[%swap3A_482, %swap3A_483], %swap3A_486 {strides = array<i32>} : memref<72x256xf32, #tpu.memory_space<vmem>>, vector<1x16xf32>,
      %add3A_487 = arith.constant 48 : i32
      %add3A_488 = arith.addi %multiple_of3A_83, %add3A_487 : i32
      %add3A_489 = vector.broadcast %add3A_488 : i32 to vector<16xi32>
      %add3A_490 = arith.addi %add3A_489, %iota3A : vector<16xi32>
      %sub3A_491 = vector.broadcast %sub3A_56 : i32 to vector<16xi32>
      %sub3A_492 = arith.subi %add3A_490, %sub3A_491 : vector<16xi32>
      %ge3A_493 = arith.constant 0 : i32
      %ge3A_494 = vector.broadcast %ge3A_493 : i32 to vector<16xi32>
      %ge3A_495 = arith.cmpi sge, %sub3A_492, %ge3A_494 : vector<16xi32>
      %lt3A_496 = arith.constant 64 : i32
      %lt3A_497 = vector.broadcast %lt3A_496 : i32 to vector<16xi32>
      %lt3A_498 = arith.cmpi slt, %sub3A_492, %lt3A_497 : vector<16xi32>
      %and3A_499 = arith.andi %ge3A_495, %lt3A_498 : vector<16xi1>
      %select_n3A_500 = arith.select %lt3A_175, %gather3A_413, %gather3A_416 : vector<16xi1>, vector<16xf32>
      %get3A_501 = arith.index_cast %add3A_382 : i32 to index
      %get3A_502 = arith.index_cast %add3A_488 : i32 to index
      %get3A_503 = tpu.vector_load %arg8[%get3A_501, %get3A_502] {strides = array<i32>} : memref<72x256xf32, #tpu.memory_space<vmem>>, vector<1x16xf32>,
      %get3A_504 = vector.shape_cast %get3A_503 : vector<1x16xf32> to vector<16xf32>
      %select_n3A_505 = arith.select %and3A_499, %select_n3A_500, %get3A_504 : vector<16xi1>, vector<16xf32>
      %swap3A_506 = arith.index_cast %add3A_382 : i32 to index
      %swap3A_507 = arith.index_cast %add3A_488 : i32 to index
      %swap3A_508 = tpu.vector_load %arg8[%swap3A_506, %swap3A_507] {strides = array<i32>} : memref<72x256xf32, #tpu.memory_space<vmem>>, vector<1x16xf32>,
      %swap3A_509 = vector.shape_cast %swap3A_508 : vector<1x16xf32> to vector<16xf32>
      %swap3A_510 = vector.shape_cast %select_n3A_505 : vector<16xf32> to vector<1x16xf32>
      tpu.vector_store %arg8[%swap3A_506, %swap3A_507], %swap3A_510 {strides = array<i32>} : memref<72x256xf32, #tpu.memory_space<vmem>>, vector<1x16xf32>,
      %add3A_511 = arith.constant 64 : i32
      %add3A_512 = arith.addi %multiple_of3A_83, %add3A_511 : i32
      %add3A_513 = vector.broadcast %add3A_512 : i32 to vector<16xi32>
      %add3A_514 = arith.addi %add3A_513, %iota3A : vector<16xi32>
      %sub3A_515 = vector.broadcast %sub3A_56 : i32 to vector<16xi32>
      %sub3A_516 = arith.subi %add3A_514, %sub3A_515 : vector<16xi32>
      %ge3A_517 = arith.constant 0 : i32
      %ge3A_518 = vector.broadcast %ge3A_517 : i32 to vector<16xi32>
      %ge3A_519 = arith.cmpi sge, %sub3A_516, %ge3A_518 : vector<16xi32>
      %lt3A_520 = arith.constant 64 : i32
      %lt3A_521 = vector.broadcast %lt3A_520 : i32 to vector<16xi32>
      %lt3A_522 = arith.cmpi slt, %sub3A_516, %lt3A_521 : vector<16xi32>
      %and3A_523 = arith.andi %ge3A_519, %lt3A_522 : vector<16xi1>
      %select_n3A_524 = arith.select %lt3A_175, %gather3A_416, %gather3A_416 : vector<16xi1>, vector<16xf32>
      %get3A_525 = arith.index_cast %add3A_382 : i32 to index
      %get3A_526 = arith.index_cast %add3A_512 : i32 to index
      %get3A_527 = tpu.vector_load %arg8[%get3A_525, %get3A_526] {strides = array<i32>} : memref<72x256xf32, #tpu.memory_space<vmem>>, vector<1x16xf32>,
      %get3A_528 = vector.shape_cast %get3A_527 : vector<1x16xf32> to vector<16xf32>
      %select_n3A_529 = arith.select %and3A_523, %select_n3A_524, %get3A_528 : vector<16xi1>, vector<16xf32>
      %swap3A_530 = arith.index_cast %add3A_382 : i32 to index
      %swap3A_531 = arith.index_cast %add3A_512 : i32 to index
      %swap3A_532 = tpu.vector_load %arg8[%swap3A_530, %swap3A_531] {strides = array<i32>} : memref<72x256xf32, #tpu.memory_space<vmem>>, vector<1x16xf32>,
      %swap3A_533 = vector.shape_cast %swap3A_532 : vector<1x16xf32> to vector<16xf32>
      %swap3A_534 = vector.shape_cast %select_n3A_529 : vector<16xf32> to vector<1x16xf32>
      tpu.vector_store %arg8[%swap3A_530, %swap3A_531], %swap3A_534 {strides = array<i32>} : memref<72x256xf32, #tpu.memory_space<vmem>>, vector<1x16xf32>,
    }
    %scan3A_180 = arith.constant 64 : i32
    %run_scoped3A_181 = arith.constant 2 : i32
    "tpu.region"() ({
      %run_scoped3A_377 = tpu.sem_alloc : memref<!tpu.dma_semaphore, #tpu.memory_space<semaphore_mem>>
      %dma_start3A = tpu.memref_slice %arg2[%add3A_6, %run_scoped3A_181, %multiple_of3A, %multiple_of3A_54] : memref<64x3x512x512xf32, #tpu.memory_space<hbm>> -> memref<1x1x72x256xf32, #tpu.memory_space<hbm>>
      %dma_start3A_378 = tpu.memref_squeeze %dma_start3A : memref<1x1x72x256xf32, #tpu.memory_space<hbm>> -> memref<72x256xf32, #tpu.memory_space<hbm>>
      %dma_start3A_379 = tpu.memref_slice %arg2[%add3A_6, %run_scoped3A_181, %multiple_of3A, %multiple_of3A_54] : memref<64x3x512x512xf32, #tpu.memory_space<hbm>> -> memref<1x1x72x256xf32, #tpu.memory_space<hbm>>
      %dma_start3A_380 = tpu.memref_squeeze %dma_start3A_379 : memref<1x1x72x256xf32, #tpu.memory_space<hbm>> -> memref<72x256xf32, #tpu.memory_space<hbm>>
      tpu.enqueue_dma source(%arg8 : memref<72x256xf32, #tpu.memory_space<vmem>>) target(%dma_start3A_380 : memref<72x256xf32, #tpu.memory_space<hbm>>) target_semaphore(%run_scoped3A_377 : memref<!tpu.dma_semaphore, #tpu.memory_space<semaphore_mem>>)
      %dma_wait3A = tpu.memref_slice %arg2[%add3A_6, %run_scoped3A_181, %multiple_of3A, %multiple_of3A_54] : memref<64x3x512x512xf32, #tpu.memory_space<hbm>> -> memref<1x1x72x256xf32, #tpu.memory_space<hbm>>
      %dma_wait3A_381 = tpu.memref_squeeze %dma_wait3A : memref<1x1x72x256xf32, #tpu.memory_space<hbm>> -> memref<72x256xf32, #tpu.memory_space<hbm>>
      %dma_wait3A_382 = tpu.memref_slice %arg2[%add3A_6, %run_scoped3A_181, %multiple_of3A, %multiple_of3A_54] : memref<64x3x512x512xf32, #tpu.memory_space<hbm>> -> memref<1x1x72x256xf32, #tpu.memory_space<hbm>>
      %dma_wait3A_383 = tpu.memref_squeeze %dma_wait3A_382 : memref<1x1x72x256xf32, #tpu.memory_space<hbm>> -> memref<72x256xf32, #tpu.memory_space<hbm>>
      tpu.wait_dma2 semaphore(%run_scoped3A_377 : memref<!tpu.dma_semaphore, #tpu.memory_space<semaphore_mem>>) src(%arg8 : memref<72x256xf32, #tpu.memory_space<vmem>>) dst(%dma_wait3A_383 : memref<72x256xf32, #tpu.memory_space<hbm>>)
      tpu.yield
    }) : () -> ()
    %mul3A_182 = arith.constant 2 : i32
    %mul3A_183 = arith.muli %add3A, %mul3A_182 : i32
    %add3A_184 = arith.constant 1 : i32
    %add3A_185 = arith.addi %mul3A_183, %add3A_184 : i32
    %slice3A_186 = vector.extract_strided_slice %get3A_2 {offsets = [2], sizes = [1], strides = [1]} : vector<16xi32> to vector<1xi32>
    %squeeze3A_187 = vector.extract %slice3A_186[0] : i32 from vector<1xi32>
    %slice3A_188 = vector.extract_strided_slice %get3A_2 {offsets = [3], sizes = [1], strides = [1]} : vector<16xi32> to vector<1xi32>
    %squeeze3A_189 = vector.extract %slice3A_188[0] : i32 from vector<1xi32>
    %jit3A_190 = arith.constant 8 : i32
    %div3A_191 = arith.divsi %squeeze3A_187, %jit3A_190 : i32
    %sign3A_192 = arith.constant 0 : i32
    %sign3A_193 = arith.cmpi sgt, %squeeze3A_187, %sign3A_192 : i32
    %sign3A_194 = arith.extui %sign3A_193 : i1 to i32
    %sign3A_195 = arith.constant 0 : i32
    %sign3A_196 = arith.cmpi slt, %squeeze3A_187, %sign3A_195 : i32
    %sign3A_197 = arith.extui %sign3A_196 : i1 to i32
    %sign3A_198 = arith.subi %sign3A_194, %sign3A_197 : i32
    %sign3A_199 = arith.constant 0 : i32
    %sign3A_200 = arith.cmpi sgt, %jit3A_190, %sign3A_199 : i32
    %sign3A_201 = arith.extui %sign3A_200 : i1 to i32
    %sign3A_202 = arith.constant 0 : i32
    %sign3A_203 = arith.cmpi slt, %jit3A_190, %sign3A_202 : i32
    %sign3A_204 = arith.extui %sign3A_203 : i1 to i32
    %sign3A_205 = arith.subi %sign3A_201, %sign3A_204 : i32
    %ne3A_206 = arith.cmpi ne, %sign3A_198, %sign3A_205 : i32
    %rem3A_207 = arith.remsi %squeeze3A_187, %jit3A_190 : i32
    %ne3A_208 = arith.constant 0 : i32
    %ne3A_209 = arith.cmpi ne, %rem3A_207, %ne3A_208 : i32
    %and3A_210 = arith.andi %ne3A_206, %ne3A_209 : i1
    %sub3A_211 = arith.constant 1 : i32
    %sub3A_212 = arith.subi %div3A_191, %sub3A_211 : i32
    %select_n3A_213 = arith.select %and3A_210, %sub3A_212, %div3A_191 : i32
    %mul3A_214 = arith.constant 8 : i32
    %mul3A_215 = arith.muli %select_n3A_213, %mul3A_214 : i32
    %multiple_of3A_216 = tpu.assume_multiple %mul3A_215, 8 : i32
    %jit3A_217 = arith.constant 128 : i32
    %div3A_218 = arith.divsi %squeeze3A_189, %jit3A_217 : i32
    %sign3A_219 = arith.constant 0 : i32
    %sign3A_220 = arith.cmpi sgt, %squeeze3A_189, %sign3A_219 : i32
    %sign3A_221 = arith.extui %sign3A_220 : i1 to i32
    %sign3A_222 = arith.constant 0 : i32
    %sign3A_223 = arith.cmpi slt, %squeeze3A_189, %sign3A_222 : i32
    %sign3A_224 = arith.extui %sign3A_223 : i1 to i32
    %sign3A_225 = arith.subi %sign3A_221, %sign3A_224 : i32
    %sign3A_226 = arith.constant 0 : i32
    %sign3A_227 = arith.cmpi sgt, %jit3A_217, %sign3A_226 : i32
    %sign3A_228 = arith.extui %sign3A_227 : i1 to i32
    %sign3A_229 = arith.constant 0 : i32
    %sign3A_230 = arith.cmpi slt, %jit3A_217, %sign3A_229 : i32
    %sign3A_231 = arith.extui %sign3A_230 : i1 to i32
    %sign3A_232 = arith.subi %sign3A_228, %sign3A_231 : i32
    %ne3A_233 = arith.cmpi ne, %sign3A_225, %sign3A_232 : i32
    %rem3A_234 = arith.remsi %squeeze3A_189, %jit3A_217 : i32
    %ne3A_235 = arith.constant 0 : i32
    %ne3A_236 = arith.cmpi ne, %rem3A_234, %ne3A_235 : i32
    %and3A_237 = arith.andi %ne3A_233, %ne3A_236 : i1
    %sub3A_238 = arith.constant 1 : i32
    %sub3A_239 = arith.subi %div3A_218, %sub3A_238 : i32
    %select_n3A_240 = arith.select %and3A_237, %sub3A_239, %div3A_218 : i32
    %mul3A_241 = arith.constant 128 : i32
    %mul3A_242 = arith.muli %select_n3A_240, %mul3A_241 : i32
    %min3A_243 = arith.constant 256 : i32
    %min3A_244 = arith.minsi %mul3A_242, %min3A_243 : i32
    %multiple_of3A_245 = tpu.assume_multiple %min3A_244, 128 : i32
    %sub3A_246 = arith.subi %squeeze3A_187, %multiple_of3A_216 : i32
    %sub3A_247 = arith.subi %squeeze3A_189, %multiple_of3A_245 : i32
    %jit3A_248 = arith.constant 16 : i32
    %div3A_249 = arith.divsi %sub3A_247, %jit3A_248 : i32
    %sign3A_250 = arith.constant 0 : i32
    %sign3A_251 = arith.cmpi sgt, %sub3A_247, %sign3A_250 : i32
    %sign3A_252 = arith.extui %sign3A_251 : i1 to i32
    %sign3A_253 = arith.constant 0 : i32
    %sign3A_254 = arith.cmpi slt, %sub3A_247, %sign3A_253 : i32
    %sign3A_255 = arith.extui %sign3A_254 : i1 to i32
    %sign3A_256 = arith.subi %sign3A_252, %sign3A_255 : i32
    %sign3A_257 = arith.constant 0 : i32
    %sign3A_258 = arith.cmpi sgt, %jit3A_248, %sign3A_257 : i32
    %sign3A_259 = arith.extui %sign3A_258 : i1 to i32
    %sign3A_260 = arith.constant 0 : i32
    %sign3A_261 = arith.cmpi slt, %jit3A_248, %sign3A_260 : i32
    %sign3A_262 = arith.extui %sign3A_261 : i1 to i32
    %sign3A_263 = arith.subi %sign3A_259, %sign3A_262 : i32
    %ne3A_264 = arith.cmpi ne, %sign3A_256, %sign3A_263 : i32
    %rem3A_265 = arith.remsi %sub3A_247, %jit3A_248 : i32
    %ne3A_266 = arith.constant 0 : i32
    %ne3A_267 = arith.cmpi ne, %rem3A_265, %ne3A_266 : i32
    %and3A_268 = arith.andi %ne3A_264, %ne3A_267 : i1
    %sub3A_269 = arith.constant 1 : i32
    %sub3A_270 = arith.subi %div3A_249, %sub3A_269 : i32
    %select_n3A_271 = arith.select %and3A_268, %sub3A_270, %div3A_249 : i32
    %mul3A_272 = arith.constant 16 : i32
    %mul3A_273 = arith.muli %select_n3A_271, %mul3A_272 : i32
    %multiple_of3A_274 = tpu.assume_multiple %mul3A_273, 16 : i32
    %run_scoped3A_275 = arith.constant 0 : i32
    "tpu.region"() ({
      %run_scoped3A_377 = tpu.sem_alloc : memref<!tpu.dma_semaphore, #tpu.memory_space<semaphore_mem>>
      %dma_start3A = tpu.memref_slice %arg2[%add3A_185, %run_scoped3A_275, %multiple_of3A_216, %multiple_of3A_245] : memref<64x3x512x512xf32, #tpu.memory_space<hbm>> -> memref<1x1x72x256xf32, #tpu.memory_space<hbm>>
      %dma_start3A_378 = tpu.memref_squeeze %dma_start3A : memref<1x1x72x256xf32, #tpu.memory_space<hbm>> -> memref<72x256xf32, #tpu.memory_space<hbm>>
      %dma_start3A_379 = tpu.memref_slice %arg2[%add3A_185, %run_scoped3A_275, %multiple_of3A_216, %multiple_of3A_245] : memref<64x3x512x512xf32, #tpu.memory_space<hbm>> -> memref<1x1x72x256xf32, #tpu.memory_space<hbm>>
      %dma_start3A_380 = tpu.memref_squeeze %dma_start3A_379 : memref<1x1x72x256xf32, #tpu.memory_space<hbm>> -> memref<72x256xf32, #tpu.memory_space<hbm>>
      tpu.enqueue_dma source(%dma_start3A_380 : memref<72x256xf32, #tpu.memory_space<hbm>>) target(%arg8 : memref<72x256xf32, #tpu.memory_space<vmem>>) target_semaphore(%run_scoped3A_377 : memref<!tpu.dma_semaphore, #tpu.memory_space<semaphore_mem>>)
      %dma_wait3A = tpu.memref_slice %arg2[%add3A_185, %run_scoped3A_275, %multiple_of3A_216, %multiple_of3A_245] : memref<64x3x512x512xf32, #tpu.memory_space<hbm>> -> memref<1x1x72x256xf32, #tpu.memory_space<hbm>>
      %dma_wait3A_381 = tpu.memref_squeeze %dma_wait3A : memref<1x1x72x256xf32, #tpu.memory_space<hbm>> -> memref<72x256xf32, #tpu.memory_space<hbm>>
      %dma_wait3A_382 = tpu.memref_slice %arg2[%add3A_185, %run_scoped3A_275, %multiple_of3A_216, %multiple_of3A_245] : memref<64x3x512x512xf32, #tpu.memory_space<hbm>> -> memref<1x1x72x256xf32, #tpu.memory_space<hbm>>
      %dma_wait3A_383 = tpu.memref_squeeze %dma_wait3A_382 : memref<1x1x72x256xf32, #tpu.memory_space<hbm>> -> memref<72x256xf32, #tpu.memory_space<hbm>>
      tpu.wait_dma2 semaphore(%run_scoped3A_377 : memref<!tpu.dma_semaphore, #tpu.memory_space<semaphore_mem>>) src(%dma_wait3A_383 : memref<72x256xf32, #tpu.memory_space<hbm>>) dst(%arg8 : memref<72x256xf32, #tpu.memory_space<vmem>>)
      tpu.yield
    }) : () -> ()
    %sub3A_276 = arith.subi %sub3A_247, %multiple_of3A_274 : i32
    %sub3A_277 = vector.broadcast %sub3A_276 : i32 to vector<16xi32>
    %sub3A_278 = arith.subi %iota3A, %sub3A_277 : vector<16xi32>
    %jit3A_279 = arith.constant 16 : i32
    %eq3A_280 = arith.constant 0 : i32
    %eq3A_281 = arith.cmpi eq, %jit3A_279, %eq3A_280 : i32
    %jit3A_282 = arith.constant 1 : i32
    %select_n3A_283 = arith.select %eq3A_281, %jit3A_282, %jit3A_279 : i32
    %rem3A_284 = vector.broadcast %select_n3A_283 : i32 to vector<16xi32>
    %rem3A_285 = arith.remsi %sub3A_278, %rem3A_284 : vector<16xi32>
    %ne3A_286 = arith.constant 0 : i32
    %ne3A_287 = vector.broadcast %ne3A_286 : i32 to vector<16xi32>
    %ne3A_288 = arith.cmpi ne, %rem3A_285, %ne3A_287 : vector<16xi32>
    %lt3A_289 = arith.constant 0 : i32
    %lt3A_290 = vector.broadcast %lt3A_289 : i32 to vector<16xi32>
    %lt3A_291 = arith.cmpi slt, %rem3A_285, %lt3A_290 : vector<16xi32>
    %lt3A_292 = arith.constant 0 : i32
    %lt3A_293 = arith.cmpi slt, %select_n3A_283, %lt3A_292 : i32
    %ne3A_294 = vector.broadcast %lt3A_293 : i1 to vector<16xi1>
    %ne3A_295 = vector.broadcast %ne3A_294 : vector<16xi1> to vector<16xi1>
    %ne3A_296 = arith.xori %lt3A_291, %ne3A_295 : vector<16xi1>
    %and3A_297 = arith.andi %ne3A_296, %ne3A_288 : vector<16xi1>
    %add3A_298 = vector.broadcast %select_n3A_283 : i32 to vector<16xi32>
    %add3A_299 = arith.addi %rem3A_285, %add3A_298 : vector<16xi32>
    %select_n3A_300 = arith.select %and3A_297, %add3A_299, %rem3A_285 : vector<16xi1>, vector<16xi32>
    %lt3A_301 = vector.broadcast %sub3A_276 : i32 to vector<16xi32>
    %lt3A_302 = arith.cmpi slt, %iota3A, %lt3A_301 : vector<16xi32>
    %scan3A_303 = arith.constant 0 : i32
    %scan3A_304 = arith.constant 64 : i32
    %scan3A_305 = arith.addi %scan3A_303, %scan3A_304 : i32
    %scan3A_306 = arith.constant 1 : i32
    scf.for %scan3A_377 = %scan3A_303 to %scan3A_305 step %scan3A_306  : i32 {
      %mul3A_378 = arith.constant 1 : i32
      %mul3A_379 = arith.muli %scan3A_377, %mul3A_378 : i32
      %add3A_380 = arith.constant 0 : i32
      %add3A_381 = arith.addi %add3A_380, %mul3A_379 : i32
      %add3A_382 = arith.addi %sub3A_246, %add3A_381 : i32
      %get3A_383 = arith.constant 0 : i32
      %get3A_384 = arith.index_cast %get3A_383 : i32 to index
      %get3A_385 = arith.index_cast %add3A_381 : i32 to index
      %get3A_386 = arith.constant 0 : index
      %get3A_387 = tpu.vector_load %arg6[%get3A_384, %get3A_385, %get3A_386] {strides = array<i32>} : memref<3x64x64xf32, #tpu.memory_space<vmem>>, vector<1x1x16xf32>,
      %get3A_388 = vector.shape_cast %get3A_387 : vector<1x1x16xf32> to vector<16xf32>
      %get3A_389 = arith.constant 0 : i32
      %get3A_390 = arith.index_cast %get3A_389 : i32 to index
      %get3A_391 = arith.index_cast %add3A_381 : i32 to index
      %get3A_392 = arith.constant 16 : index
      %get3A_393 = tpu.vector_load %arg6[%get3A_390, %get3A_391, %get3A_392] {strides = array<i32>} : memref<3x64x64xf32, #tpu.memory_space<vmem>>, vector<1x1x16xf32>,
      %get3A_394 = vector.shape_cast %get3A_393 : vector<1x1x16xf32> to vector<16xf32>
      %get3A_395 = arith.constant 0 : i32
      %get3A_396 = arith.index_cast %get3A_395 : i32 to index
      %get3A_397 = arith.index_cast %add3A_381 : i32 to index
      %get3A_398 = arith.constant 32 : index
      %get3A_399 = tpu.vector_load %arg6[%get3A_396, %get3A_397, %get3A_398] {strides = array<i32>} : memref<3x64x64xf32, #tpu.memory_space<vmem>>, vector<1x1x16xf32>,
      %get3A_400 = vector.shape_cast %get3A_399 : vector<1x1x16xf32> to vector<16xf32>
      %get3A_401 = arith.constant 0 : i32
      %get3A_402 = arith.index_cast %get3A_401 : i32 to index
      %get3A_403 = arith.index_cast %add3A_381 : i32 to index
      %get3A_404 = arith.constant 48 : index
      %get3A_405 = tpu.vector_load %arg6[%get3A_402, %get3A_403, %get3A_404] {strides = array<i32>} : memref<3x64x64xf32, #tpu.memory_space<vmem>>, vector<1x1x16xf32>,
      %get3A_406 = vector.shape_cast %get3A_405 : vector<1x1x16xf32> to vector<16xf32>
      %broadcast_in_dim3A = vector.shape_cast %select_n3A_300 : vector<16xi32> to vector<16x1xi32>
      %gather3A = vector.shape_cast %broadcast_in_dim3A : vector<16x1xi32> to vector<16xi32>
      %gather3A_407 = tpu.dynamic_gather %get3A_388[%gather3A] in [0] : vector<16xf32>, vector<16xi32> -> vector<16xf32>
      %broadcast_in_dim3A_408 = vector.shape_cast %select_n3A_300 : vector<16xi32> to vector<16x1xi32>
      %gather3A_409 = vector.shape_cast %broadcast_in_dim3A_408 : vector<16x1xi32> to vector<16xi32>
      %gather3A_410 = tpu.dynamic_gather %get3A_394[%gather3A_409] in [0] : vector<16xf32>, vector<16xi32> -> vector<16xf32>
      %broadcast_in_dim3A_411 = vector.shape_cast %select_n3A_300 : vector<16xi32> to vector<16x1xi32>
      %gather3A_412 = vector.shape_cast %broadcast_in_dim3A_411 : vector<16x1xi32> to vector<16xi32>
      %gather3A_413 = tpu.dynamic_gather %get3A_400[%gather3A_412] in [0] : vector<16xf32>, vector<16xi32> -> vector<16xf32>
      %broadcast_in_dim3A_414 = vector.shape_cast %select_n3A_300 : vector<16xi32> to vector<16x1xi32>
      %gather3A_415 = vector.shape_cast %broadcast_in_dim3A_414 : vector<16x1xi32> to vector<16xi32>
      %gather3A_416 = tpu.dynamic_gather %get3A_406[%gather3A_415] in [0] : vector<16xf32>, vector<16xi32> -> vector<16xf32>
      %add3A_417 = arith.constant 0 : i32
      %add3A_418 = arith.addi %multiple_of3A_274, %add3A_417 : i32
      %add3A_419 = vector.broadcast %add3A_418 : i32 to vector<16xi32>
      %add3A_420 = arith.addi %add3A_419, %iota3A : vector<16xi32>
      %sub3A_421 = vector.broadcast %sub3A_247 : i32 to vector<16xi32>
      %sub3A_422 = arith.subi %add3A_420, %sub3A_421 : vector<16xi32>
      %ge3A = arith.constant 0 : i32
      %ge3A_423 = vector.broadcast %ge3A : i32 to vector<16xi32>
      %ge3A_424 = arith.cmpi sge, %sub3A_422, %ge3A_423 : vector<16xi32>
      %lt3A_425 = arith.constant 64 : i32
      %lt3A_426 = vector.broadcast %lt3A_425 : i32 to vector<16xi32>
      %lt3A_427 = arith.cmpi slt, %sub3A_422, %lt3A_426 : vector<16xi32>
      %and3A_428 = arith.andi %ge3A_424, %lt3A_427 : vector<16xi1>
      %select_n3A_429 = arith.select %lt3A_302, %gather3A_407, %gather3A_407 : vector<16xi1>, vector<16xf32>
      %get3A_430 = arith.index_cast %add3A_382 : i32 to index
      %get3A_431 = arith.index_cast %add3A_418 : i32 to index
      %get3A_432 = tpu.vector_load %arg8[%get3A_430, %get3A_431] {strides = array<i32>} : memref<72x256xf32, #tpu.memory_space<vmem>>, vector<1x16xf32>,
      %get3A_433 = vector.shape_cast %get3A_432 : vector<1x16xf32> to vector<16xf32>
      %select_n3A_434 = arith.select %and3A_428, %select_n3A_429, %get3A_433 : vector<16xi1>, vector<16xf32>
      %swap3A = arith.index_cast %add3A_382 : i32 to index
      %swap3A_435 = arith.index_cast %add3A_418 : i32 to index
      %swap3A_436 = tpu.vector_load %arg8[%swap3A, %swap3A_435] {strides = array<i32>} : memref<72x256xf32, #tpu.memory_space<vmem>>, vector<1x16xf32>,
      %swap3A_437 = vector.shape_cast %swap3A_436 : vector<1x16xf32> to vector<16xf32>
      %swap3A_438 = vector.shape_cast %select_n3A_434 : vector<16xf32> to vector<1x16xf32>
      tpu.vector_store %arg8[%swap3A, %swap3A_435], %swap3A_438 {strides = array<i32>} : memref<72x256xf32, #tpu.memory_space<vmem>>, vector<1x16xf32>,
      %add3A_439 = arith.constant 16 : i32
      %add3A_440 = arith.addi %multiple_of3A_274, %add3A_439 : i32
      %add3A_441 = vector.broadcast %add3A_440 : i32 to vector<16xi32>
      %add3A_442 = arith.addi %add3A_441, %iota3A : vector<16xi32>
      %sub3A_443 = vector.broadcast %sub3A_247 : i32 to vector<16xi32>
      %sub3A_444 = arith.subi %add3A_442, %sub3A_443 : vector<16xi32>
      %ge3A_445 = arith.constant 0 : i32
      %ge3A_446 = vector.broadcast %ge3A_445 : i32 to vector<16xi32>
      %ge3A_447 = arith.cmpi sge, %sub3A_444, %ge3A_446 : vector<16xi32>
      %lt3A_448 = arith.constant 64 : i32
      %lt3A_449 = vector.broadcast %lt3A_448 : i32 to vector<16xi32>
      %lt3A_450 = arith.cmpi slt, %sub3A_444, %lt3A_449 : vector<16xi32>
      %and3A_451 = arith.andi %ge3A_447, %lt3A_450 : vector<16xi1>
      %select_n3A_452 = arith.select %lt3A_302, %gather3A_407, %gather3A_410 : vector<16xi1>, vector<16xf32>
      %get3A_453 = arith.index_cast %add3A_382 : i32 to index
      %get3A_454 = arith.index_cast %add3A_440 : i32 to index
      %get3A_455 = tpu.vector_load %arg8[%get3A_453, %get3A_454] {strides = array<i32>} : memref<72x256xf32, #tpu.memory_space<vmem>>, vector<1x16xf32>,
      %get3A_456 = vector.shape_cast %get3A_455 : vector<1x16xf32> to vector<16xf32>
      %select_n3A_457 = arith.select %and3A_451, %select_n3A_452, %get3A_456 : vector<16xi1>, vector<16xf32>
      %swap3A_458 = arith.index_cast %add3A_382 : i32 to index
      %swap3A_459 = arith.index_cast %add3A_440 : i32 to index
      %swap3A_460 = tpu.vector_load %arg8[%swap3A_458, %swap3A_459] {strides = array<i32>} : memref<72x256xf32, #tpu.memory_space<vmem>>, vector<1x16xf32>,
      %swap3A_461 = vector.shape_cast %swap3A_460 : vector<1x16xf32> to vector<16xf32>
      %swap3A_462 = vector.shape_cast %select_n3A_457 : vector<16xf32> to vector<1x16xf32>
      tpu.vector_store %arg8[%swap3A_458, %swap3A_459], %swap3A_462 {strides = array<i32>} : memref<72x256xf32, #tpu.memory_space<vmem>>, vector<1x16xf32>,
      %add3A_463 = arith.constant 32 : i32
      %add3A_464 = arith.addi %multiple_of3A_274, %add3A_463 : i32
      %add3A_465 = vector.broadcast %add3A_464 : i32 to vector<16xi32>
      %add3A_466 = arith.addi %add3A_465, %iota3A : vector<16xi32>
      %sub3A_467 = vector.broadcast %sub3A_247 : i32 to vector<16xi32>
      %sub3A_468 = arith.subi %add3A_466, %sub3A_467 : vector<16xi32>
      %ge3A_469 = arith.constant 0 : i32
      %ge3A_470 = vector.broadcast %ge3A_469 : i32 to vector<16xi32>
      %ge3A_471 = arith.cmpi sge, %sub3A_468, %ge3A_470 : vector<16xi32>
      %lt3A_472 = arith.constant 64 : i32
      %lt3A_473 = vector.broadcast %lt3A_472 : i32 to vector<16xi32>
      %lt3A_474 = arith.cmpi slt, %sub3A_468, %lt3A_473 : vector<16xi32>
      %and3A_475 = arith.andi %ge3A_471, %lt3A_474 : vector<16xi1>
      %select_n3A_476 = arith.select %lt3A_302, %gather3A_410, %gather3A_413 : vector<16xi1>, vector<16xf32>
      %get3A_477 = arith.index_cast %add3A_382 : i32 to index
      %get3A_478 = arith.index_cast %add3A_464 : i32 to index
      %get3A_479 = tpu.vector_load %arg8[%get3A_477, %get3A_478] {strides = array<i32>} : memref<72x256xf32, #tpu.memory_space<vmem>>, vector<1x16xf32>,
      %get3A_480 = vector.shape_cast %get3A_479 : vector<1x16xf32> to vector<16xf32>
      %select_n3A_481 = arith.select %and3A_475, %select_n3A_476, %get3A_480 : vector<16xi1>, vector<16xf32>
      %swap3A_482 = arith.index_cast %add3A_382 : i32 to index
      %swap3A_483 = arith.index_cast %add3A_464 : i32 to index
      %swap3A_484 = tpu.vector_load %arg8[%swap3A_482, %swap3A_483] {strides = array<i32>} : memref<72x256xf32, #tpu.memory_space<vmem>>, vector<1x16xf32>,
      %swap3A_485 = vector.shape_cast %swap3A_484 : vector<1x16xf32> to vector<16xf32>
      %swap3A_486 = vector.shape_cast %select_n3A_481 : vector<16xf32> to vector<1x16xf32>
      tpu.vector_store %arg8[%swap3A_482, %swap3A_483], %swap3A_486 {strides = array<i32>} : memref<72x256xf32, #tpu.memory_space<vmem>>, vector<1x16xf32>,
      %add3A_487 = arith.constant 48 : i32
      %add3A_488 = arith.addi %multiple_of3A_274, %add3A_487 : i32
      %add3A_489 = vector.broadcast %add3A_488 : i32 to vector<16xi32>
      %add3A_490 = arith.addi %add3A_489, %iota3A : vector<16xi32>
      %sub3A_491 = vector.broadcast %sub3A_247 : i32 to vector<16xi32>
      %sub3A_492 = arith.subi %add3A_490, %sub3A_491 : vector<16xi32>
      %ge3A_493 = arith.constant 0 : i32
      %ge3A_494 = vector.broadcast %ge3A_493 : i32 to vector<16xi32>
      %ge3A_495 = arith.cmpi sge, %sub3A_492, %ge3A_494 : vector<16xi32>
      %lt3A_496 = arith.constant 64 : i32
      %lt3A_497 = vector.broadcast %lt3A_496 : i32 to vector<16xi32>
      %lt3A_498 = arith.cmpi slt, %sub3A_492, %lt3A_497 : vector<16xi32>
      %and3A_499 = arith.andi %ge3A_495, %lt3A_498 : vector<16xi1>
      %select_n3A_500 = arith.select %lt3A_302, %gather3A_413, %gather3A_416 : vector<16xi1>, vector<16xf32>
      %get3A_501 = arith.index_cast %add3A_382 : i32 to index
      %get3A_502 = arith.index_cast %add3A_488 : i32 to index
      %get3A_503 = tpu.vector_load %arg8[%get3A_501, %get3A_502] {strides = array<i32>} : memref<72x256xf32, #tpu.memory_space<vmem>>, vector<1x16xf32>,
      %get3A_504 = vector.shape_cast %get3A_503 : vector<1x16xf32> to vector<16xf32>
      %select_n3A_505 = arith.select %and3A_499, %select_n3A_500, %get3A_504 : vector<16xi1>, vector<16xf32>
      %swap3A_506 = arith.index_cast %add3A_382 : i32 to index
      %swap3A_507 = arith.index_cast %add3A_488 : i32 to index
      %swap3A_508 = tpu.vector_load %arg8[%swap3A_506, %swap3A_507] {strides = array<i32>} : memref<72x256xf32, #tpu.memory_space<vmem>>, vector<1x16xf32>,
      %swap3A_509 = vector.shape_cast %swap3A_508 : vector<1x16xf32> to vector<16xf32>
      %swap3A_510 = vector.shape_cast %select_n3A_505 : vector<16xf32> to vector<1x16xf32>
      tpu.vector_store %arg8[%swap3A_506, %swap3A_507], %swap3A_510 {strides = array<i32>} : memref<72x256xf32, #tpu.memory_space<vmem>>, vector<1x16xf32>,
      %add3A_511 = arith.constant 64 : i32
      %add3A_512 = arith.addi %multiple_of3A_274, %add3A_511 : i32
      %add3A_513 = vector.broadcast %add3A_512 : i32 to vector<16xi32>
      %add3A_514 = arith.addi %add3A_513, %iota3A : vector<16xi32>
      %sub3A_515 = vector.broadcast %sub3A_247 : i32 to vector<16xi32>
      %sub3A_516 = arith.subi %add3A_514, %sub3A_515 : vector<16xi32>
      %ge3A_517 = arith.constant 0 : i32
      %ge3A_518 = vector.broadcast %ge3A_517 : i32 to vector<16xi32>
      %ge3A_519 = arith.cmpi sge, %sub3A_516, %ge3A_518 : vector<16xi32>
      %lt3A_520 = arith.constant 64 : i32
      %lt3A_521 = vector.broadcast %lt3A_520 : i32 to vector<16xi32>
      %lt3A_522 = arith.cmpi slt, %sub3A_516, %lt3A_521 : vector<16xi32>
      %and3A_523 = arith.andi %ge3A_519, %lt3A_522 : vector<16xi1>
      %select_n3A_524 = arith.select %lt3A_302, %gather3A_416, %gather3A_416 : vector<16xi1>, vector<16xf32>
      %get3A_525 = arith.index_cast %add3A_382 : i32 to index
      %get3A_526 = arith.index_cast %add3A_512 : i32 to index
      %get3A_527 = tpu.vector_load %arg8[%get3A_525, %get3A_526] {strides = array<i32>} : memref<72x256xf32, #tpu.memory_space<vmem>>, vector<1x16xf32>,
      %get3A_528 = vector.shape_cast %get3A_527 : vector<1x16xf32> to vector<16xf32>
      %select_n3A_529 = arith.select %and3A_523, %select_n3A_524, %get3A_528 : vector<16xi1>, vector<16xf32>
      %swap3A_530 = arith.index_cast %add3A_382 : i32 to index
      %swap3A_531 = arith.index_cast %add3A_512 : i32 to index
      %swap3A_532 = tpu.vector_load %arg8[%swap3A_530, %swap3A_531] {strides = array<i32>} : memref<72x256xf32, #tpu.memory_space<vmem>>, vector<1x16xf32>,
      %swap3A_533 = vector.shape_cast %swap3A_532 : vector<1x16xf32> to vector<16xf32>
      %swap3A_534 = vector.shape_cast %select_n3A_529 : vector<16xf32> to vector<1x16xf32>
      tpu.vector_store %arg8[%swap3A_530, %swap3A_531], %swap3A_534 {strides = array<i32>} : memref<72x256xf32, #tpu.memory_space<vmem>>, vector<1x16xf32>,
    }
    %scan3A_307 = arith.constant 64 : i32
    %run_scoped3A_308 = arith.constant 0 : i32
    "tpu.region"() ({
      %run_scoped3A_377 = tpu.sem_alloc : memref<!tpu.dma_semaphore, #tpu.memory_space<semaphore_mem>>
      %dma_start3A = tpu.memref_slice %arg2[%add3A_185, %run_scoped3A_308, %multiple_of3A_216, %multiple_of3A_245] : memref<64x3x512x512xf32, #tpu.memory_space<hbm>> -> memref<1x1x72x256xf32, #tpu.memory_space<hbm>>
      %dma_start3A_378 = tpu.memref_squeeze %dma_start3A : memref<1x1x72x256xf32, #tpu.memory_space<hbm>> -> memref<72x256xf32, #tpu.memory_space<hbm>>
      %dma_start3A_379 = tpu.memref_slice %arg2[%add3A_185, %run_scoped3A_308, %multiple_of3A_216, %multiple_of3A_245] : memref<64x3x512x512xf32, #tpu.memory_space<hbm>> -> memref<1x1x72x256xf32, #tpu.memory_space<hbm>>
      %dma_start3A_380 = tpu.memref_squeeze %dma_start3A_379 : memref<1x1x72x256xf32, #tpu.memory_space<hbm>> -> memref<72x256xf32, #tpu.memory_space<hbm>>
      tpu.enqueue_dma source(%arg8 : memref<72x256xf32, #tpu.memory_space<vmem>>) target(%dma_start3A_380 : memref<72x256xf32, #tpu.memory_space<hbm>>) target_semaphore(%run_scoped3A_377 : memref<!tpu.dma_semaphore, #tpu.memory_space<semaphore_mem>>)
      %dma_wait3A = tpu.memref_slice %arg2[%add3A_185, %run_scoped3A_308, %multiple_of3A_216, %multiple_of3A_245] : memref<64x3x512x512xf32, #tpu.memory_space<hbm>> -> memref<1x1x72x256xf32, #tpu.memory_space<hbm>>
      %dma_wait3A_381 = tpu.memref_squeeze %dma_wait3A : memref<1x1x72x256xf32, #tpu.memory_space<hbm>> -> memref<72x256xf32, #tpu.memory_space<hbm>>
      %dma_wait3A_382 = tpu.memref_slice %arg2[%add3A_185, %run_scoped3A_308, %multiple_of3A_216, %multiple_of3A_245] : memref<64x3x512x512xf32, #tpu.memory_space<hbm>> -> memref<1x1x72x256xf32, #tpu.memory_space<hbm>>
      %dma_wait3A_383 = tpu.memref_squeeze %dma_wait3A_382 : memref<1x1x72x256xf32, #tpu.memory_space<hbm>> -> memref<72x256xf32, #tpu.memory_space<hbm>>
      tpu.wait_dma2 semaphore(%run_scoped3A_377 : memref<!tpu.dma_semaphore, #tpu.memory_space<semaphore_mem>>) src(%arg8 : memref<72x256xf32, #tpu.memory_space<vmem>>) dst(%dma_wait3A_383 : memref<72x256xf32, #tpu.memory_space<hbm>>)
      tpu.yield
    }) : () -> ()
    %run_scoped3A_309 = arith.constant 1 : i32
    "tpu.region"() ({
      %run_scoped3A_377 = tpu.sem_alloc : memref<!tpu.dma_semaphore, #tpu.memory_space<semaphore_mem>>
      %dma_start3A = tpu.memref_slice %arg2[%add3A_185, %run_scoped3A_309, %multiple_of3A_216, %multiple_of3A_245] : memref<64x3x512x512xf32, #tpu.memory_space<hbm>> -> memref<1x1x72x256xf32, #tpu.memory_space<hbm>>
      %dma_start3A_378 = tpu.memref_squeeze %dma_start3A : memref<1x1x72x256xf32, #tpu.memory_space<hbm>> -> memref<72x256xf32, #tpu.memory_space<hbm>>
      %dma_start3A_379 = tpu.memref_slice %arg2[%add3A_185, %run_scoped3A_309, %multiple_of3A_216, %multiple_of3A_245] : memref<64x3x512x512xf32, #tpu.memory_space<hbm>> -> memref<1x1x72x256xf32, #tpu.memory_space<hbm>>
      %dma_start3A_380 = tpu.memref_squeeze %dma_start3A_379 : memref<1x1x72x256xf32, #tpu.memory_space<hbm>> -> memref<72x256xf32, #tpu.memory_space<hbm>>
      tpu.enqueue_dma source(%dma_start3A_380 : memref<72x256xf32, #tpu.memory_space<hbm>>) target(%arg8 : memref<72x256xf32, #tpu.memory_space<vmem>>) target_semaphore(%run_scoped3A_377 : memref<!tpu.dma_semaphore, #tpu.memory_space<semaphore_mem>>)
      %dma_wait3A = tpu.memref_slice %arg2[%add3A_185, %run_scoped3A_309, %multiple_of3A_216, %multiple_of3A_245] : memref<64x3x512x512xf32, #tpu.memory_space<hbm>> -> memref<1x1x72x256xf32, #tpu.memory_space<hbm>>
      %dma_wait3A_381 = tpu.memref_squeeze %dma_wait3A : memref<1x1x72x256xf32, #tpu.memory_space<hbm>> -> memref<72x256xf32, #tpu.memory_space<hbm>>
      %dma_wait3A_382 = tpu.memref_slice %arg2[%add3A_185, %run_scoped3A_309, %multiple_of3A_216, %multiple_of3A_245] : memref<64x3x512x512xf32, #tpu.memory_space<hbm>> -> memref<1x1x72x256xf32, #tpu.memory_space<hbm>>
      %dma_wait3A_383 = tpu.memref_squeeze %dma_wait3A_382 : memref<1x1x72x256xf32, #tpu.memory_space<hbm>> -> memref<72x256xf32, #tpu.memory_space<hbm>>
      tpu.wait_dma2 semaphore(%run_scoped3A_377 : memref<!tpu.dma_semaphore, #tpu.memory_space<semaphore_mem>>) src(%dma_wait3A_383 : memref<72x256xf32, #tpu.memory_space<hbm>>) dst(%arg8 : memref<72x256xf32, #tpu.memory_space<vmem>>)
      tpu.yield
    }) : () -> ()
    %sub3A_310 = arith.subi %sub3A_247, %multiple_of3A_274 : i32
    %sub3A_311 = vector.broadcast %sub3A_310 : i32 to vector<16xi32>
    %sub3A_312 = arith.subi %iota3A, %sub3A_311 : vector<16xi32>
    %jit3A_313 = arith.constant 16 : i32
    %eq3A_314 = arith.constant 0 : i32
    %eq3A_315 = arith.cmpi eq, %jit3A_313, %eq3A_314 : i32
    %jit3A_316 = arith.constant 1 : i32
    %select_n3A_317 = arith.select %eq3A_315, %jit3A_316, %jit3A_313 : i32
    %rem3A_318 = vector.broadcast %select_n3A_317 : i32 to vector<16xi32>
    %rem3A_319 = arith.remsi %sub3A_312, %rem3A_318 : vector<16xi32>
    %ne3A_320 = arith.constant 0 : i32
    %ne3A_321 = vector.broadcast %ne3A_320 : i32 to vector<16xi32>
    %ne3A_322 = arith.cmpi ne, %rem3A_319, %ne3A_321 : vector<16xi32>
    %lt3A_323 = arith.constant 0 : i32
    %lt3A_324 = vector.broadcast %lt3A_323 : i32 to vector<16xi32>
    %lt3A_325 = arith.cmpi slt, %rem3A_319, %lt3A_324 : vector<16xi32>
    %lt3A_326 = arith.constant 0 : i32
    %lt3A_327 = arith.cmpi slt, %select_n3A_317, %lt3A_326 : i32
    %ne3A_328 = vector.broadcast %lt3A_327 : i1 to vector<16xi1>
    %ne3A_329 = vector.broadcast %ne3A_328 : vector<16xi1> to vector<16xi1>
    %ne3A_330 = arith.xori %lt3A_325, %ne3A_329 : vector<16xi1>
    %and3A_331 = arith.andi %ne3A_330, %ne3A_322 : vector<16xi1>
    %add3A_332 = vector.broadcast %select_n3A_317 : i32 to vector<16xi32>
    %add3A_333 = arith.addi %rem3A_319, %add3A_332 : vector<16xi32>
    %select_n3A_334 = arith.select %and3A_331, %add3A_333, %rem3A_319 : vector<16xi1>, vector<16xi32>
    %lt3A_335 = vector.broadcast %sub3A_310 : i32 to vector<16xi32>
    %lt3A_336 = arith.cmpi slt, %iota3A, %lt3A_335 : vector<16xi32>
    %scan3A_337 = arith.constant 0 : i32
    %scan3A_338 = arith.constant 64 : i32
    %scan3A_339 = arith.addi %scan3A_337, %scan3A_338 : i32
    %scan3A_340 = arith.constant 1 : i32
    scf.for %scan3A_377 = %scan3A_337 to %scan3A_339 step %scan3A_340  : i32 {
      %mul3A_378 = arith.constant 1 : i32
      %mul3A_379 = arith.muli %scan3A_377, %mul3A_378 : i32
      %add3A_380 = arith.constant 0 : i32
      %add3A_381 = arith.addi %add3A_380, %mul3A_379 : i32
      %add3A_382 = arith.addi %sub3A_246, %add3A_381 : i32
      %get3A_383 = arith.constant 1 : i32
      %get3A_384 = arith.index_cast %get3A_383 : i32 to index
      %get3A_385 = arith.index_cast %add3A_381 : i32 to index
      %get3A_386 = arith.constant 0 : index
      %get3A_387 = tpu.vector_load %arg6[%get3A_384, %get3A_385, %get3A_386] {strides = array<i32>} : memref<3x64x64xf32, #tpu.memory_space<vmem>>, vector<1x1x16xf32>,
      %get3A_388 = vector.shape_cast %get3A_387 : vector<1x1x16xf32> to vector<16xf32>
      %get3A_389 = arith.constant 1 : i32
      %get3A_390 = arith.index_cast %get3A_389 : i32 to index
      %get3A_391 = arith.index_cast %add3A_381 : i32 to index
      %get3A_392 = arith.constant 16 : index
      %get3A_393 = tpu.vector_load %arg6[%get3A_390, %get3A_391, %get3A_392] {strides = array<i32>} : memref<3x64x64xf32, #tpu.memory_space<vmem>>, vector<1x1x16xf32>,
      %get3A_394 = vector.shape_cast %get3A_393 : vector<1x1x16xf32> to vector<16xf32>
      %get3A_395 = arith.constant 1 : i32
      %get3A_396 = arith.index_cast %get3A_395 : i32 to index
      %get3A_397 = arith.index_cast %add3A_381 : i32 to index
      %get3A_398 = arith.constant 32 : index
      %get3A_399 = tpu.vector_load %arg6[%get3A_396, %get3A_397, %get3A_398] {strides = array<i32>} : memref<3x64x64xf32, #tpu.memory_space<vmem>>, vector<1x1x16xf32>,
      %get3A_400 = vector.shape_cast %get3A_399 : vector<1x1x16xf32> to vector<16xf32>
      %get3A_401 = arith.constant 1 : i32
      %get3A_402 = arith.index_cast %get3A_401 : i32 to index
      %get3A_403 = arith.index_cast %add3A_381 : i32 to index
      %get3A_404 = arith.constant 48 : index
      %get3A_405 = tpu.vector_load %arg6[%get3A_402, %get3A_403, %get3A_404] {strides = array<i32>} : memref<3x64x64xf32, #tpu.memory_space<vmem>>, vector<1x1x16xf32>,
      %get3A_406 = vector.shape_cast %get3A_405 : vector<1x1x16xf32> to vector<16xf32>
      %broadcast_in_dim3A = vector.shape_cast %select_n3A_334 : vector<16xi32> to vector<16x1xi32>
      %gather3A = vector.shape_cast %broadcast_in_dim3A : vector<16x1xi32> to vector<16xi32>
      %gather3A_407 = tpu.dynamic_gather %get3A_388[%gather3A] in [0] : vector<16xf32>, vector<16xi32> -> vector<16xf32>
      %broadcast_in_dim3A_408 = vector.shape_cast %select_n3A_334 : vector<16xi32> to vector<16x1xi32>
      %gather3A_409 = vector.shape_cast %broadcast_in_dim3A_408 : vector<16x1xi32> to vector<16xi32>
      %gather3A_410 = tpu.dynamic_gather %get3A_394[%gather3A_409] in [0] : vector<16xf32>, vector<16xi32> -> vector<16xf32>
      %broadcast_in_dim3A_411 = vector.shape_cast %select_n3A_334 : vector<16xi32> to vector<16x1xi32>
      %gather3A_412 = vector.shape_cast %broadcast_in_dim3A_411 : vector<16x1xi32> to vector<16xi32>
      %gather3A_413 = tpu.dynamic_gather %get3A_400[%gather3A_412] in [0] : vector<16xf32>, vector<16xi32> -> vector<16xf32>
      %broadcast_in_dim3A_414 = vector.shape_cast %select_n3A_334 : vector<16xi32> to vector<16x1xi32>
      %gather3A_415 = vector.shape_cast %broadcast_in_dim3A_414 : vector<16x1xi32> to vector<16xi32>
      %gather3A_416 = tpu.dynamic_gather %get3A_406[%gather3A_415] in [0] : vector<16xf32>, vector<16xi32> -> vector<16xf32>
      %add3A_417 = arith.constant 0 : i32
      %add3A_418 = arith.addi %multiple_of3A_274, %add3A_417 : i32
      %add3A_419 = vector.broadcast %add3A_418 : i32 to vector<16xi32>
      %add3A_420 = arith.addi %add3A_419, %iota3A : vector<16xi32>
      %sub3A_421 = vector.broadcast %sub3A_247 : i32 to vector<16xi32>
      %sub3A_422 = arith.subi %add3A_420, %sub3A_421 : vector<16xi32>
      %ge3A = arith.constant 0 : i32
      %ge3A_423 = vector.broadcast %ge3A : i32 to vector<16xi32>
      %ge3A_424 = arith.cmpi sge, %sub3A_422, %ge3A_423 : vector<16xi32>
      %lt3A_425 = arith.constant 64 : i32
      %lt3A_426 = vector.broadcast %lt3A_425 : i32 to vector<16xi32>
      %lt3A_427 = arith.cmpi slt, %sub3A_422, %lt3A_426 : vector<16xi32>
      %and3A_428 = arith.andi %ge3A_424, %lt3A_427 : vector<16xi1>
      %select_n3A_429 = arith.select %lt3A_336, %gather3A_407, %gather3A_407 : vector<16xi1>, vector<16xf32>
      %get3A_430 = arith.index_cast %add3A_382 : i32 to index
      %get3A_431 = arith.index_cast %add3A_418 : i32 to index
      %get3A_432 = tpu.vector_load %arg8[%get3A_430, %get3A_431] {strides = array<i32>} : memref<72x256xf32, #tpu.memory_space<vmem>>, vector<1x16xf32>,
      %get3A_433 = vector.shape_cast %get3A_432 : vector<1x16xf32> to vector<16xf32>
      %select_n3A_434 = arith.select %and3A_428, %select_n3A_429, %get3A_433 : vector<16xi1>, vector<16xf32>
      %swap3A = arith.index_cast %add3A_382 : i32 to index
      %swap3A_435 = arith.index_cast %add3A_418 : i32 to index
      %swap3A_436 = tpu.vector_load %arg8[%swap3A, %swap3A_435] {strides = array<i32>} : memref<72x256xf32, #tpu.memory_space<vmem>>, vector<1x16xf32>,
      %swap3A_437 = vector.shape_cast %swap3A_436 : vector<1x16xf32> to vector<16xf32>
      %swap3A_438 = vector.shape_cast %select_n3A_434 : vector<16xf32> to vector<1x16xf32>
      tpu.vector_store %arg8[%swap3A, %swap3A_435], %swap3A_438 {strides = array<i32>} : memref<72x256xf32, #tpu.memory_space<vmem>>, vector<1x16xf32>,
      %add3A_439 = arith.constant 16 : i32
      %add3A_440 = arith.addi %multiple_of3A_274, %add3A_439 : i32
      %add3A_441 = vector.broadcast %add3A_440 : i32 to vector<16xi32>
      %add3A_442 = arith.addi %add3A_441, %iota3A : vector<16xi32>
      %sub3A_443 = vector.broadcast %sub3A_247 : i32 to vector<16xi32>
      %sub3A_444 = arith.subi %add3A_442, %sub3A_443 : vector<16xi32>
      %ge3A_445 = arith.constant 0 : i32
      %ge3A_446 = vector.broadcast %ge3A_445 : i32 to vector<16xi32>
      %ge3A_447 = arith.cmpi sge, %sub3A_444, %ge3A_446 : vector<16xi32>
      %lt3A_448 = arith.constant 64 : i32
      %lt3A_449 = vector.broadcast %lt3A_448 : i32 to vector<16xi32>
      %lt3A_450 = arith.cmpi slt, %sub3A_444, %lt3A_449 : vector<16xi32>
      %and3A_451 = arith.andi %ge3A_447, %lt3A_450 : vector<16xi1>
      %select_n3A_452 = arith.select %lt3A_336, %gather3A_407, %gather3A_410 : vector<16xi1>, vector<16xf32>
      %get3A_453 = arith.index_cast %add3A_382 : i32 to index
      %get3A_454 = arith.index_cast %add3A_440 : i32 to index
      %get3A_455 = tpu.vector_load %arg8[%get3A_453, %get3A_454] {strides = array<i32>} : memref<72x256xf32, #tpu.memory_space<vmem>>, vector<1x16xf32>,
      %get3A_456 = vector.shape_cast %get3A_455 : vector<1x16xf32> to vector<16xf32>
      %select_n3A_457 = arith.select %and3A_451, %select_n3A_452, %get3A_456 : vector<16xi1>, vector<16xf32>
      %swap3A_458 = arith.index_cast %add3A_382 : i32 to index
      %swap3A_459 = arith.index_cast %add3A_440 : i32 to index
      %swap3A_460 = tpu.vector_load %arg8[%swap3A_458, %swap3A_459] {strides = array<i32>} : memref<72x256xf32, #tpu.memory_space<vmem>>, vector<1x16xf32>,
      %swap3A_461 = vector.shape_cast %swap3A_460 : vector<1x16xf32> to vector<16xf32>
      %swap3A_462 = vector.shape_cast %select_n3A_457 : vector<16xf32> to vector<1x16xf32>
      tpu.vector_store %arg8[%swap3A_458, %swap3A_459], %swap3A_462 {strides = array<i32>} : memref<72x256xf32, #tpu.memory_space<vmem>>, vector<1x16xf32>,
      %add3A_463 = arith.constant 32 : i32
      %add3A_464 = arith.addi %multiple_of3A_274, %add3A_463 : i32
      %add3A_465 = vector.broadcast %add3A_464 : i32 to vector<16xi32>
      %add3A_466 = arith.addi %add3A_465, %iota3A : vector<16xi32>
      %sub3A_467 = vector.broadcast %sub3A_247 : i32 to vector<16xi32>
      %sub3A_468 = arith.subi %add3A_466, %sub3A_467 : vector<16xi32>
      %ge3A_469 = arith.constant 0 : i32
      %ge3A_470 = vector.broadcast %ge3A_469 : i32 to vector<16xi32>
      %ge3A_471 = arith.cmpi sge, %sub3A_468, %ge3A_470 : vector<16xi32>
      %lt3A_472 = arith.constant 64 : i32
      %lt3A_473 = vector.broadcast %lt3A_472 : i32 to vector<16xi32>
      %lt3A_474 = arith.cmpi slt, %sub3A_468, %lt3A_473 : vector<16xi32>
      %and3A_475 = arith.andi %ge3A_471, %lt3A_474 : vector<16xi1>
      %select_n3A_476 = arith.select %lt3A_336, %gather3A_410, %gather3A_413 : vector<16xi1>, vector<16xf32>
      %get3A_477 = arith.index_cast %add3A_382 : i32 to index
      %get3A_478 = arith.index_cast %add3A_464 : i32 to index
      %get3A_479 = tpu.vector_load %arg8[%get3A_477, %get3A_478] {strides = array<i32>} : memref<72x256xf32, #tpu.memory_space<vmem>>, vector<1x16xf32>,
      %get3A_480 = vector.shape_cast %get3A_479 : vector<1x16xf32> to vector<16xf32>
      %select_n3A_481 = arith.select %and3A_475, %select_n3A_476, %get3A_480 : vector<16xi1>, vector<16xf32>
      %swap3A_482 = arith.index_cast %add3A_382 : i32 to index
      %swap3A_483 = arith.index_cast %add3A_464 : i32 to index
      %swap3A_484 = tpu.vector_load %arg8[%swap3A_482, %swap3A_483] {strides = array<i32>} : memref<72x256xf32, #tpu.memory_space<vmem>>, vector<1x16xf32>,
      %swap3A_485 = vector.shape_cast %swap3A_484 : vector<1x16xf32> to vector<16xf32>
      %swap3A_486 = vector.shape_cast %select_n3A_481 : vector<16xf32> to vector<1x16xf32>
      tpu.vector_store %arg8[%swap3A_482, %swap3A_483], %swap3A_486 {strides = array<i32>} : memref<72x256xf32, #tpu.memory_space<vmem>>, vector<1x16xf32>,
      %add3A_487 = arith.constant 48 : i32
      %add3A_488 = arith.addi %multiple_of3A_274, %add3A_487 : i32
      %add3A_489 = vector.broadcast %add3A_488 : i32 to vector<16xi32>
      %add3A_490 = arith.addi %add3A_489, %iota3A : vector<16xi32>
      %sub3A_491 = vector.broadcast %sub3A_247 : i32 to vector<16xi32>
      %sub3A_492 = arith.subi %add3A_490, %sub3A_491 : vector<16xi32>
      %ge3A_493 = arith.constant 0 : i32
      %ge3A_494 = vector.broadcast %ge3A_493 : i32 to vector<16xi32>
      %ge3A_495 = arith.cmpi sge, %sub3A_492, %ge3A_494 : vector<16xi32>
      %lt3A_496 = arith.constant 64 : i32
      %lt3A_497 = vector.broadcast %lt3A_496 : i32 to vector<16xi32>
      %lt3A_498 = arith.cmpi slt, %sub3A_492, %lt3A_497 : vector<16xi32>
      %and3A_499 = arith.andi %ge3A_495, %lt3A_498 : vector<16xi1>
      %select_n3A_500 = arith.select %lt3A_336, %gather3A_413, %gather3A_416 : vector<16xi1>, vector<16xf32>
      %get3A_501 = arith.index_cast %add3A_382 : i32 to index
      %get3A_502 = arith.index_cast %add3A_488 : i32 to index
      %get3A_503 = tpu.vector_load %arg8[%get3A_501, %get3A_502] {strides = array<i32>} : memref<72x256xf32, #tpu.memory_space<vmem>>, vector<1x16xf32>,
      %get3A_504 = vector.shape_cast %get3A_503 : vector<1x16xf32> to vector<16xf32>
      %select_n3A_505 = arith.select %and3A_499, %select_n3A_500, %get3A_504 : vector<16xi1>, vector<16xf32>
      %swap3A_506 = arith.index_cast %add3A_382 : i32 to index
      %swap3A_507 = arith.index_cast %add3A_488 : i32 to index
      %swap3A_508 = tpu.vector_load %arg8[%swap3A_506, %swap3A_507] {strides = array<i32>} : memref<72x256xf32, #tpu.memory_space<vmem>>, vector<1x16xf32>,
      %swap3A_509 = vector.shape_cast %swap3A_508 : vector<1x16xf32> to vector<16xf32>
      %swap3A_510 = vector.shape_cast %select_n3A_505 : vector<16xf32> to vector<1x16xf32>
      tpu.vector_store %arg8[%swap3A_506, %swap3A_507], %swap3A_510 {strides = array<i32>} : memref<72x256xf32, #tpu.memory_space<vmem>>, vector<1x16xf32>,
      %add3A_511 = arith.constant 64 : i32
      %add3A_512 = arith.addi %multiple_of3A_274, %add3A_511 : i32
      %add3A_513 = vector.broadcast %add3A_512 : i32 to vector<16xi32>
      %add3A_514 = arith.addi %add3A_513, %iota3A : vector<16xi32>
      %sub3A_515 = vector.broadcast %sub3A_247 : i32 to vector<16xi32>
      %sub3A_516 = arith.subi %add3A_514, %sub3A_515 : vector<16xi32>
      %ge3A_517 = arith.constant 0 : i32
      %ge3A_518 = vector.broadcast %ge3A_517 : i32 to vector<16xi32>
      %ge3A_519 = arith.cmpi sge, %sub3A_516, %ge3A_518 : vector<16xi32>
      %lt3A_520 = arith.constant 64 : i32
      %lt3A_521 = vector.broadcast %lt3A_520 : i32 to vector<16xi32>
      %lt3A_522 = arith.cmpi slt, %sub3A_516, %lt3A_521 : vector<16xi32>
      %and3A_523 = arith.andi %ge3A_519, %lt3A_522 : vector<16xi1>
      %select_n3A_524 = arith.select %lt3A_336, %gather3A_416, %gather3A_416 : vector<16xi1>, vector<16xf32>
      %get3A_525 = arith.index_cast %add3A_382 : i32 to index
      %get3A_526 = arith.index_cast %add3A_512 : i32 to index
      %get3A_527 = tpu.vector_load %arg8[%get3A_525, %get3A_526] {strides = array<i32>} : memref<72x256xf32, #tpu.memory_space<vmem>>, vector<1x16xf32>,
      %get3A_528 = vector.shape_cast %get3A_527 : vector<1x16xf32> to vector<16xf32>
      %select_n3A_529 = arith.select %and3A_523, %select_n3A_524, %get3A_528 : vector<16xi1>, vector<16xf32>
      %swap3A_530 = arith.index_cast %add3A_382 : i32 to index
      %swap3A_531 = arith.index_cast %add3A_512 : i32 to index
      %swap3A_532 = tpu.vector_load %arg8[%swap3A_530, %swap3A_531] {strides = array<i32>} : memref<72x256xf32, #tpu.memory_space<vmem>>, vector<1x16xf32>,
      %swap3A_533 = vector.shape_cast %swap3A_532 : vector<1x16xf32> to vector<16xf32>
      %swap3A_534 = vector.shape_cast %select_n3A_529 : vector<16xf32> to vector<1x16xf32>
      tpu.vector_store %arg8[%swap3A_530, %swap3A_531], %swap3A_534 {strides = array<i32>} : memref<72x256xf32, #tpu.memory_space<vmem>>, vector<1x16xf32>,
    }
    %scan3A_341 = arith.constant 64 : i32
    %run_scoped3A_342 = arith.constant 1 : i32
    "tpu.region"() ({
      %run_scoped3A_377 = tpu.sem_alloc : memref<!tpu.dma_semaphore, #tpu.memory_space<semaphore_mem>>
      %dma_start3A = tpu.memref_slice %arg2[%add3A_185, %run_scoped3A_342, %multiple_of3A_216, %multiple_of3A_245] : memref<64x3x512x512xf32, #tpu.memory_space<hbm>> -> memref<1x1x72x256xf32, #tpu.memory_space<hbm>>
      %dma_start3A_378 = tpu.memref_squeeze %dma_start3A : memref<1x1x72x256xf32, #tpu.memory_space<hbm>> -> memref<72x256xf32, #tpu.memory_space<hbm>>
      %dma_start3A_379 = tpu.memref_slice %arg2[%add3A_185, %run_scoped3A_342, %multiple_of3A_216, %multiple_of3A_245] : memref<64x3x512x512xf32, #tpu.memory_space<hbm>> -> memref<1x1x72x256xf32, #tpu.memory_space<hbm>>
      %dma_start3A_380 = tpu.memref_squeeze %dma_start3A_379 : memref<1x1x72x256xf32, #tpu.memory_space<hbm>> -> memref<72x256xf32, #tpu.memory_space<hbm>>
      tpu.enqueue_dma source(%arg8 : memref<72x256xf32, #tpu.memory_space<vmem>>) target(%dma_start3A_380 : memref<72x256xf32, #tpu.memory_space<hbm>>) target_semaphore(%run_scoped3A_377 : memref<!tpu.dma_semaphore, #tpu.memory_space<semaphore_mem>>)
      %dma_wait3A = tpu.memref_slice %arg2[%add3A_185, %run_scoped3A_342, %multiple_of3A_216, %multiple_of3A_245] : memref<64x3x512x512xf32, #tpu.memory_space<hbm>> -> memref<1x1x72x256xf32, #tpu.memory_space<hbm>>
      %dma_wait3A_381 = tpu.memref_squeeze %dma_wait3A : memref<1x1x72x256xf32, #tpu.memory_space<hbm>> -> memref<72x256xf32, #tpu.memory_space<hbm>>
      %dma_wait3A_382 = tpu.memref_slice %arg2[%add3A_185, %run_scoped3A_342, %multiple_of3A_216, %multiple_of3A_245] : memref<64x3x512x512xf32, #tpu.memory_space<hbm>> -> memref<1x1x72x256xf32, #tpu.memory_space<hbm>>
      %dma_wait3A_383 = tpu.memref_squeeze %dma_wait3A_382 : memref<1x1x72x256xf32, #tpu.memory_space<hbm>> -> memref<72x256xf32, #tpu.memory_space<hbm>>
      tpu.wait_dma2 semaphore(%run_scoped3A_377 : memref<!tpu.dma_semaphore, #tpu.memory_space<semaphore_mem>>) src(%arg8 : memref<72x256xf32, #tpu.memory_space<vmem>>) dst(%dma_wait3A_383 : memref<72x256xf32, #tpu.memory_space<hbm>>)
      tpu.yield
    }) : () -> ()
    %run_scoped3A_343 = arith.constant 2 : i32
    "tpu.region"() ({
      %run_scoped3A_377 = tpu.sem_alloc : memref<!tpu.dma_semaphore, #tpu.memory_space<semaphore_mem>>
      %dma_start3A = tpu.memref_slice %arg2[%add3A_185, %run_scoped3A_343, %multiple_of3A_216, %multiple_of3A_245] : memref<64x3x512x512xf32, #tpu.memory_space<hbm>> -> memref<1x1x72x256xf32, #tpu.memory_space<hbm>>
      %dma_start3A_378 = tpu.memref_squeeze %dma_start3A : memref<1x1x72x256xf32, #tpu.memory_space<hbm>> -> memref<72x256xf32, #tpu.memory_space<hbm>>
      %dma_start3A_379 = tpu.memref_slice %arg2[%add3A_185, %run_scoped3A_343, %multiple_of3A_216, %multiple_of3A_245] : memref<64x3x512x512xf32, #tpu.memory_space<hbm>> -> memref<1x1x72x256xf32, #tpu.memory_space<hbm>>
      %dma_start3A_380 = tpu.memref_squeeze %dma_start3A_379 : memref<1x1x72x256xf32, #tpu.memory_space<hbm>> -> memref<72x256xf32, #tpu.memory_space<hbm>>
      tpu.enqueue_dma source(%dma_start3A_380 : memref<72x256xf32, #tpu.memory_space<hbm>>) target(%arg8 : memref<72x256xf32, #tpu.memory_space<vmem>>) target_semaphore(%run_scoped3A_377 : memref<!tpu.dma_semaphore, #tpu.memory_space<semaphore_mem>>)
      %dma_wait3A = tpu.memref_slice %arg2[%add3A_185, %run_scoped3A_343, %multiple_of3A_216, %multiple_of3A_245] : memref<64x3x512x512xf32, #tpu.memory_space<hbm>> -> memref<1x1x72x256xf32, #tpu.memory_space<hbm>>
      %dma_wait3A_381 = tpu.memref_squeeze %dma_wait3A : memref<1x1x72x256xf32, #tpu.memory_space<hbm>> -> memref<72x256xf32, #tpu.memory_space<hbm>>
      %dma_wait3A_382 = tpu.memref_slice %arg2[%add3A_185, %run_scoped3A_343, %multiple_of3A_216, %multiple_of3A_245] : memref<64x3x512x512xf32, #tpu.memory_space<hbm>> -> memref<1x1x72x256xf32, #tpu.memory_space<hbm>>
      %dma_wait3A_383 = tpu.memref_squeeze %dma_wait3A_382 : memref<1x1x72x256xf32, #tpu.memory_space<hbm>> -> memref<72x256xf32, #tpu.memory_space<hbm>>
      tpu.wait_dma2 semaphore(%run_scoped3A_377 : memref<!tpu.dma_semaphore, #tpu.memory_space<semaphore_mem>>) src(%dma_wait3A_383 : memref<72x256xf32, #tpu.memory_space<hbm>>) dst(%arg8 : memref<72x256xf32, #tpu.memory_space<vmem>>)
      tpu.yield
    }) : () -> ()
    %sub3A_344 = arith.subi %sub3A_247, %multiple_of3A_274 : i32
    %sub3A_345 = vector.broadcast %sub3A_344 : i32 to vector<16xi32>
    %sub3A_346 = arith.subi %iota3A, %sub3A_345 : vector<16xi32>
    %jit3A_347 = arith.constant 16 : i32
    %eq3A_348 = arith.constant 0 : i32
    %eq3A_349 = arith.cmpi eq, %jit3A_347, %eq3A_348 : i32
    %jit3A_350 = arith.constant 1 : i32
    %select_n3A_351 = arith.select %eq3A_349, %jit3A_350, %jit3A_347 : i32
    %rem3A_352 = vector.broadcast %select_n3A_351 : i32 to vector<16xi32>
    %rem3A_353 = arith.remsi %sub3A_346, %rem3A_352 : vector<16xi32>
    %ne3A_354 = arith.constant 0 : i32
    %ne3A_355 = vector.broadcast %ne3A_354 : i32 to vector<16xi32>
    %ne3A_356 = arith.cmpi ne, %rem3A_353, %ne3A_355 : vector<16xi32>
    %lt3A_357 = arith.constant 0 : i32
    %lt3A_358 = vector.broadcast %lt3A_357 : i32 to vector<16xi32>
    %lt3A_359 = arith.cmpi slt, %rem3A_353, %lt3A_358 : vector<16xi32>
    %lt3A_360 = arith.constant 0 : i32
    %lt3A_361 = arith.cmpi slt, %select_n3A_351, %lt3A_360 : i32
    %ne3A_362 = vector.broadcast %lt3A_361 : i1 to vector<16xi1>
    %ne3A_363 = vector.broadcast %ne3A_362 : vector<16xi1> to vector<16xi1>
    %ne3A_364 = arith.xori %lt3A_359, %ne3A_363 : vector<16xi1>
    %and3A_365 = arith.andi %ne3A_364, %ne3A_356 : vector<16xi1>
    %add3A_366 = vector.broadcast %select_n3A_351 : i32 to vector<16xi32>
    %add3A_367 = arith.addi %rem3A_353, %add3A_366 : vector<16xi32>
    %select_n3A_368 = arith.select %and3A_365, %add3A_367, %rem3A_353 : vector<16xi1>, vector<16xi32>
    %lt3A_369 = vector.broadcast %sub3A_344 : i32 to vector<16xi32>
    %lt3A_370 = arith.cmpi slt, %iota3A, %lt3A_369 : vector<16xi32>
    %scan3A_371 = arith.constant 0 : i32
    %scan3A_372 = arith.constant 64 : i32
    %scan3A_373 = arith.addi %scan3A_371, %scan3A_372 : i32
    %scan3A_374 = arith.constant 1 : i32
    scf.for %scan3A_377 = %scan3A_371 to %scan3A_373 step %scan3A_374  : i32 {
      %mul3A_378 = arith.constant 1 : i32
      %mul3A_379 = arith.muli %scan3A_377, %mul3A_378 : i32
      %add3A_380 = arith.constant 0 : i32
      %add3A_381 = arith.addi %add3A_380, %mul3A_379 : i32
      %add3A_382 = arith.addi %sub3A_246, %add3A_381 : i32
      %get3A_383 = arith.constant 2 : i32
      %get3A_384 = arith.index_cast %get3A_383 : i32 to index
      %get3A_385 = arith.index_cast %add3A_381 : i32 to index
      %get3A_386 = arith.constant 0 : index
      %get3A_387 = tpu.vector_load %arg6[%get3A_384, %get3A_385, %get3A_386] {strides = array<i32>} : memref<3x64x64xf32, #tpu.memory_space<vmem>>, vector<1x1x16xf32>,
      %get3A_388 = vector.shape_cast %get3A_387 : vector<1x1x16xf32> to vector<16xf32>
      %get3A_389 = arith.constant 2 : i32
      %get3A_390 = arith.index_cast %get3A_389 : i32 to index
      %get3A_391 = arith.index_cast %add3A_381 : i32 to index
      %get3A_392 = arith.constant 16 : index
      %get3A_393 = tpu.vector_load %arg6[%get3A_390, %get3A_391, %get3A_392] {strides = array<i32>} : memref<3x64x64xf32, #tpu.memory_space<vmem>>, vector<1x1x16xf32>,
      %get3A_394 = vector.shape_cast %get3A_393 : vector<1x1x16xf32> to vector<16xf32>
      %get3A_395 = arith.constant 2 : i32
      %get3A_396 = arith.index_cast %get3A_395 : i32 to index
      %get3A_397 = arith.index_cast %add3A_381 : i32 to index
      %get3A_398 = arith.constant 32 : index
      %get3A_399 = tpu.vector_load %arg6[%get3A_396, %get3A_397, %get3A_398] {strides = array<i32>} : memref<3x64x64xf32, #tpu.memory_space<vmem>>, vector<1x1x16xf32>,
      %get3A_400 = vector.shape_cast %get3A_399 : vector<1x1x16xf32> to vector<16xf32>
      %get3A_401 = arith.constant 2 : i32
      %get3A_402 = arith.index_cast %get3A_401 : i32 to index
      %get3A_403 = arith.index_cast %add3A_381 : i32 to index
      %get3A_404 = arith.constant 48 : index
      %get3A_405 = tpu.vector_load %arg6[%get3A_402, %get3A_403, %get3A_404] {strides = array<i32>} : memref<3x64x64xf32, #tpu.memory_space<vmem>>, vector<1x1x16xf32>,
      %get3A_406 = vector.shape_cast %get3A_405 : vector<1x1x16xf32> to vector<16xf32>
      %broadcast_in_dim3A = vector.shape_cast %select_n3A_368 : vector<16xi32> to vector<16x1xi32>
      %gather3A = vector.shape_cast %broadcast_in_dim3A : vector<16x1xi32> to vector<16xi32>
      %gather3A_407 = tpu.dynamic_gather %get3A_388[%gather3A] in [0] : vector<16xf32>, vector<16xi32> -> vector<16xf32>
      %broadcast_in_dim3A_408 = vector.shape_cast %select_n3A_368 : vector<16xi32> to vector<16x1xi32>
      %gather3A_409 = vector.shape_cast %broadcast_in_dim3A_408 : vector<16x1xi32> to vector<16xi32>
      %gather3A_410 = tpu.dynamic_gather %get3A_394[%gather3A_409] in [0] : vector<16xf32>, vector<16xi32> -> vector<16xf32>
      %broadcast_in_dim3A_411 = vector.shape_cast %select_n3A_368 : vector<16xi32> to vector<16x1xi32>
      %gather3A_412 = vector.shape_cast %broadcast_in_dim3A_411 : vector<16x1xi32> to vector<16xi32>
      %gather3A_413 = tpu.dynamic_gather %get3A_400[%gather3A_412] in [0] : vector<16xf32>, vector<16xi32> -> vector<16xf32>
      %broadcast_in_dim3A_414 = vector.shape_cast %select_n3A_368 : vector<16xi32> to vector<16x1xi32>
      %gather3A_415 = vector.shape_cast %broadcast_in_dim3A_414 : vector<16x1xi32> to vector<16xi32>
      %gather3A_416 = tpu.dynamic_gather %get3A_406[%gather3A_415] in [0] : vector<16xf32>, vector<16xi32> -> vector<16xf32>
      %add3A_417 = arith.constant 0 : i32
      %add3A_418 = arith.addi %multiple_of3A_274, %add3A_417 : i32
      %add3A_419 = vector.broadcast %add3A_418 : i32 to vector<16xi32>
      %add3A_420 = arith.addi %add3A_419, %iota3A : vector<16xi32>
      %sub3A_421 = vector.broadcast %sub3A_247 : i32 to vector<16xi32>
      %sub3A_422 = arith.subi %add3A_420, %sub3A_421 : vector<16xi32>
      %ge3A = arith.constant 0 : i32
      %ge3A_423 = vector.broadcast %ge3A : i32 to vector<16xi32>
      %ge3A_424 = arith.cmpi sge, %sub3A_422, %ge3A_423 : vector<16xi32>
      %lt3A_425 = arith.constant 64 : i32
      %lt3A_426 = vector.broadcast %lt3A_425 : i32 to vector<16xi32>
      %lt3A_427 = arith.cmpi slt, %sub3A_422, %lt3A_426 : vector<16xi32>
      %and3A_428 = arith.andi %ge3A_424, %lt3A_427 : vector<16xi1>
      %select_n3A_429 = arith.select %lt3A_370, %gather3A_407, %gather3A_407 : vector<16xi1>, vector<16xf32>
      %get3A_430 = arith.index_cast %add3A_382 : i32 to index
      %get3A_431 = arith.index_cast %add3A_418 : i32 to index
      %get3A_432 = tpu.vector_load %arg8[%get3A_430, %get3A_431] {strides = array<i32>} : memref<72x256xf32, #tpu.memory_space<vmem>>, vector<1x16xf32>,
      %get3A_433 = vector.shape_cast %get3A_432 : vector<1x16xf32> to vector<16xf32>
      %select_n3A_434 = arith.select %and3A_428, %select_n3A_429, %get3A_433 : vector<16xi1>, vector<16xf32>
      %swap3A = arith.index_cast %add3A_382 : i32 to index
      %swap3A_435 = arith.index_cast %add3A_418 : i32 to index
      %swap3A_436 = tpu.vector_load %arg8[%swap3A, %swap3A_435] {strides = array<i32>} : memref<72x256xf32, #tpu.memory_space<vmem>>, vector<1x16xf32>,
      %swap3A_437 = vector.shape_cast %swap3A_436 : vector<1x16xf32> to vector<16xf32>
      %swap3A_438 = vector.shape_cast %select_n3A_434 : vector<16xf32> to vector<1x16xf32>
      tpu.vector_store %arg8[%swap3A, %swap3A_435], %swap3A_438 {strides = array<i32>} : memref<72x256xf32, #tpu.memory_space<vmem>>, vector<1x16xf32>,
      %add3A_439 = arith.constant 16 : i32
      %add3A_440 = arith.addi %multiple_of3A_274, %add3A_439 : i32
      %add3A_441 = vector.broadcast %add3A_440 : i32 to vector<16xi32>
      %add3A_442 = arith.addi %add3A_441, %iota3A : vector<16xi32>
      %sub3A_443 = vector.broadcast %sub3A_247 : i32 to vector<16xi32>
      %sub3A_444 = arith.subi %add3A_442, %sub3A_443 : vector<16xi32>
      %ge3A_445 = arith.constant 0 : i32
      %ge3A_446 = vector.broadcast %ge3A_445 : i32 to vector<16xi32>
      %ge3A_447 = arith.cmpi sge, %sub3A_444, %ge3A_446 : vector<16xi32>
      %lt3A_448 = arith.constant 64 : i32
      %lt3A_449 = vector.broadcast %lt3A_448 : i32 to vector<16xi32>
      %lt3A_450 = arith.cmpi slt, %sub3A_444, %lt3A_449 : vector<16xi32>
      %and3A_451 = arith.andi %ge3A_447, %lt3A_450 : vector<16xi1>
      %select_n3A_452 = arith.select %lt3A_370, %gather3A_407, %gather3A_410 : vector<16xi1>, vector<16xf32>
      %get3A_453 = arith.index_cast %add3A_382 : i32 to index
      %get3A_454 = arith.index_cast %add3A_440 : i32 to index
      %get3A_455 = tpu.vector_load %arg8[%get3A_453, %get3A_454] {strides = array<i32>} : memref<72x256xf32, #tpu.memory_space<vmem>>, vector<1x16xf32>,
      %get3A_456 = vector.shape_cast %get3A_455 : vector<1x16xf32> to vector<16xf32>
      %select_n3A_457 = arith.select %and3A_451, %select_n3A_452, %get3A_456 : vector<16xi1>, vector<16xf32>
      %swap3A_458 = arith.index_cast %add3A_382 : i32 to index
      %swap3A_459 = arith.index_cast %add3A_440 : i32 to index
      %swap3A_460 = tpu.vector_load %arg8[%swap3A_458, %swap3A_459] {strides = array<i32>} : memref<72x256xf32, #tpu.memory_space<vmem>>, vector<1x16xf32>,
      %swap3A_461 = vector.shape_cast %swap3A_460 : vector<1x16xf32> to vector<16xf32>
      %swap3A_462 = vector.shape_cast %select_n3A_457 : vector<16xf32> to vector<1x16xf32>
      tpu.vector_store %arg8[%swap3A_458, %swap3A_459], %swap3A_462 {strides = array<i32>} : memref<72x256xf32, #tpu.memory_space<vmem>>, vector<1x16xf32>,
      %add3A_463 = arith.constant 32 : i32
      %add3A_464 = arith.addi %multiple_of3A_274, %add3A_463 : i32
      %add3A_465 = vector.broadcast %add3A_464 : i32 to vector<16xi32>
      %add3A_466 = arith.addi %add3A_465, %iota3A : vector<16xi32>
      %sub3A_467 = vector.broadcast %sub3A_247 : i32 to vector<16xi32>
      %sub3A_468 = arith.subi %add3A_466, %sub3A_467 : vector<16xi32>
      %ge3A_469 = arith.constant 0 : i32
      %ge3A_470 = vector.broadcast %ge3A_469 : i32 to vector<16xi32>
      %ge3A_471 = arith.cmpi sge, %sub3A_468, %ge3A_470 : vector<16xi32>
      %lt3A_472 = arith.constant 64 : i32
      %lt3A_473 = vector.broadcast %lt3A_472 : i32 to vector<16xi32>
      %lt3A_474 = arith.cmpi slt, %sub3A_468, %lt3A_473 : vector<16xi32>
      %and3A_475 = arith.andi %ge3A_471, %lt3A_474 : vector<16xi1>
      %select_n3A_476 = arith.select %lt3A_370, %gather3A_410, %gather3A_413 : vector<16xi1>, vector<16xf32>
      %get3A_477 = arith.index_cast %add3A_382 : i32 to index
      %get3A_478 = arith.index_cast %add3A_464 : i32 to index
      %get3A_479 = tpu.vector_load %arg8[%get3A_477, %get3A_478] {strides = array<i32>} : memref<72x256xf32, #tpu.memory_space<vmem>>, vector<1x16xf32>,
      %get3A_480 = vector.shape_cast %get3A_479 : vector<1x16xf32> to vector<16xf32>
      %select_n3A_481 = arith.select %and3A_475, %select_n3A_476, %get3A_480 : vector<16xi1>, vector<16xf32>
      %swap3A_482 = arith.index_cast %add3A_382 : i32 to index
      %swap3A_483 = arith.index_cast %add3A_464 : i32 to index
      %swap3A_484 = tpu.vector_load %arg8[%swap3A_482, %swap3A_483] {strides = array<i32>} : memref<72x256xf32, #tpu.memory_space<vmem>>, vector<1x16xf32>,
      %swap3A_485 = vector.shape_cast %swap3A_484 : vector<1x16xf32> to vector<16xf32>
      %swap3A_486 = vector.shape_cast %select_n3A_481 : vector<16xf32> to vector<1x16xf32>
      tpu.vector_store %arg8[%swap3A_482, %swap3A_483], %swap3A_486 {strides = array<i32>} : memref<72x256xf32, #tpu.memory_space<vmem>>, vector<1x16xf32>,
      %add3A_487 = arith.constant 48 : i32
      %add3A_488 = arith.addi %multiple_of3A_274, %add3A_487 : i32
      %add3A_489 = vector.broadcast %add3A_488 : i32 to vector<16xi32>
      %add3A_490 = arith.addi %add3A_489, %iota3A : vector<16xi32>
      %sub3A_491 = vector.broadcast %sub3A_247 : i32 to vector<16xi32>
      %sub3A_492 = arith.subi %add3A_490, %sub3A_491 : vector<16xi32>
      %ge3A_493 = arith.constant 0 : i32
      %ge3A_494 = vector.broadcast %ge3A_493 : i32 to vector<16xi32>
      %ge3A_495 = arith.cmpi sge, %sub3A_492, %ge3A_494 : vector<16xi32>
      %lt3A_496 = arith.constant 64 : i32
      %lt3A_497 = vector.broadcast %lt3A_496 : i32 to vector<16xi32>
      %lt3A_498 = arith.cmpi slt, %sub3A_492, %lt3A_497 : vector<16xi32>
      %and3A_499 = arith.andi %ge3A_495, %lt3A_498 : vector<16xi1>
      %select_n3A_500 = arith.select %lt3A_370, %gather3A_413, %gather3A_416 : vector<16xi1>, vector<16xf32>
      %get3A_501 = arith.index_cast %add3A_382 : i32 to index
      %get3A_502 = arith.index_cast %add3A_488 : i32 to index
      %get3A_503 = tpu.vector_load %arg8[%get3A_501, %get3A_502] {strides = array<i32>} : memref<72x256xf32, #tpu.memory_space<vmem>>, vector<1x16xf32>,
      %get3A_504 = vector.shape_cast %get3A_503 : vector<1x16xf32> to vector<16xf32>
      %select_n3A_505 = arith.select %and3A_499, %select_n3A_500, %get3A_504 : vector<16xi1>, vector<16xf32>
      %swap3A_506 = arith.index_cast %add3A_382 : i32 to index
      %swap3A_507 = arith.index_cast %add3A_488 : i32 to index
      %swap3A_508 = tpu.vector_load %arg8[%swap3A_506, %swap3A_507] {strides = array<i32>} : memref<72x256xf32, #tpu.memory_space<vmem>>, vector<1x16xf32>,
      %swap3A_509 = vector.shape_cast %swap3A_508 : vector<1x16xf32> to vector<16xf32>
      %swap3A_510 = vector.shape_cast %select_n3A_505 : vector<16xf32> to vector<1x16xf32>
      tpu.vector_store %arg8[%swap3A_506, %swap3A_507], %swap3A_510 {strides = array<i32>} : memref<72x256xf32, #tpu.memory_space<vmem>>, vector<1x16xf32>,
      %add3A_511 = arith.constant 64 : i32
      %add3A_512 = arith.addi %multiple_of3A_274, %add3A_511 : i32
      %add3A_513 = vector.broadcast %add3A_512 : i32 to vector<16xi32>
      %add3A_514 = arith.addi %add3A_513, %iota3A : vector<16xi32>
      %sub3A_515 = vector.broadcast %sub3A_247 : i32 to vector<16xi32>
      %sub3A_516 = arith.subi %add3A_514, %sub3A_515 : vector<16xi32>
      %ge3A_517 = arith.constant 0 : i32
      %ge3A_518 = vector.broadcast %ge3A_517 : i32 to vector<16xi32>
      %ge3A_519 = arith.cmpi sge, %sub3A_516, %ge3A_518 : vector<16xi32>
      %lt3A_520 = arith.constant 64 : i32
      %lt3A_521 = vector.broadcast %lt3A_520 : i32 to vector<16xi32>
      %lt3A_522 = arith.cmpi slt, %sub3A_516, %lt3A_521 : vector<16xi32>
      %and3A_523 = arith.andi %ge3A_519, %lt3A_522 : vector<16xi1>
      %select_n3A_524 = arith.select %lt3A_370, %gather3A_416, %gather3A_416 : vector<16xi1>, vector<16xf32>
      %get3A_525 = arith.index_cast %add3A_382 : i32 to index
      %get3A_526 = arith.index_cast %add3A_512 : i32 to index
      %get3A_527 = tpu.vector_load %arg8[%get3A_525, %get3A_526] {strides = array<i32>} : memref<72x256xf32, #tpu.memory_space<vmem>>, vector<1x16xf32>,
      %get3A_528 = vector.shape_cast %get3A_527 : vector<1x16xf32> to vector<16xf32>
      %select_n3A_529 = arith.select %and3A_523, %select_n3A_524, %get3A_528 : vector<16xi1>, vector<16xf32>
      %swap3A_530 = arith.index_cast %add3A_382 : i32 to index
      %swap3A_531 = arith.index_cast %add3A_512 : i32 to index
      %swap3A_532 = tpu.vector_load %arg8[%swap3A_530, %swap3A_531] {strides = array<i32>} : memref<72x256xf32, #tpu.memory_space<vmem>>, vector<1x16xf32>,
      %swap3A_533 = vector.shape_cast %swap3A_532 : vector<1x16xf32> to vector<16xf32>
      %swap3A_534 = vector.shape_cast %select_n3A_529 : vector<16xf32> to vector<1x16xf32>
      tpu.vector_store %arg8[%swap3A_530, %swap3A_531], %swap3A_534 {strides = array<i32>} : memref<72x256xf32, #tpu.memory_space<vmem>>, vector<1x16xf32>,
    }
    %scan3A_375 = arith.constant 64 : i32
    %run_scoped3A_376 = arith.constant 2 : i32
    "tpu.region"() ({
      %run_scoped3A_377 = tpu.sem_alloc : memref<!tpu.dma_semaphore, #tpu.memory_space<semaphore_mem>>
      %dma_start3A = tpu.memref_slice %arg2[%add3A_185, %run_scoped3A_376, %multiple_of3A_216, %multiple_of3A_245] : memref<64x3x512x512xf32, #tpu.memory_space<hbm>> -> memref<1x1x72x256xf32, #tpu.memory_space<hbm>>
      %dma_start3A_378 = tpu.memref_squeeze %dma_start3A : memref<1x1x72x256xf32, #tpu.memory_space<hbm>> -> memref<72x256xf32, #tpu.memory_space<hbm>>
      %dma_start3A_379 = tpu.memref_slice %arg2[%add3A_185, %run_scoped3A_376, %multiple_of3A_216, %multiple_of3A_245] : memref<64x3x512x512xf32, #tpu.memory_space<hbm>> -> memref<1x1x72x256xf32, #tpu.memory_space<hbm>>
      %dma_start3A_380 = tpu.memref_squeeze %dma_start3A_379 : memref<1x1x72x256xf32, #tpu.memory_space<hbm>> -> memref<72x256xf32, #tpu.memory_space<hbm>>
      tpu.enqueue_dma source(%arg8 : memref<72x256xf32, #tpu.memory_space<vmem>>) target(%dma_start3A_380 : memref<72x256xf32, #tpu.memory_space<hbm>>) target_semaphore(%run_scoped3A_377 : memref<!tpu.dma_semaphore, #tpu.memory_space<semaphore_mem>>)
      %dma_wait3A = tpu.memref_slice %arg2[%add3A_185, %run_scoped3A_376, %multiple_of3A_216, %multiple_of3A_245] : memref<64x3x512x512xf32, #tpu.memory_space<hbm>> -> memref<1x1x72x256xf32, #tpu.memory_space<hbm>>
      %dma_wait3A_381 = tpu.memref_squeeze %dma_wait3A : memref<1x1x72x256xf32, #tpu.memory_space<hbm>> -> memref<72x256xf32, #tpu.memory_space<hbm>>
      %dma_wait3A_382 = tpu.memref_slice %arg2[%add3A_185, %run_scoped3A_376, %multiple_of3A_216, %multiple_of3A_245] : memref<64x3x512x512xf32, #tpu.memory_space<hbm>> -> memref<1x1x72x256xf32, #tpu.memory_space<hbm>>
      %dma_wait3A_383 = tpu.memref_squeeze %dma_wait3A_382 : memref<1x1x72x256xf32, #tpu.memory_space<hbm>> -> memref<72x256xf32, #tpu.memory_space<hbm>>
      tpu.wait_dma2 semaphore(%run_scoped3A_377 : memref<!tpu.dma_semaphore, #tpu.memory_space<semaphore_mem>>) src(%arg8 : memref<72x256xf32, #tpu.memory_space<vmem>>) dst(%dma_wait3A_383 : memref<72x256xf32, #tpu.memory_space<hbm>>)
      tpu.yield
    }) : () -> ()
    return
  }
}

</mosaic_0001>

<sc_bundles>
// kernel: kernel.3.cloned.1.call-start
scs
__scs_entry_jumppad:
0x0: {  	(pc) =	sbr.rel $0x88, $3  }
0x1: {  	(tag) =	ssettag $0x0;
	lr =	simm.s32 $0x1  }
0x2: {  	[smem:$0x3F9D] =	sst lr;
	_ =	strace $0xD0000000  }
0x3: {  	_ = 	snop  }
0x4: {  	_ = 	snop  }
0x5: {  	_ = 	snop  }
0x6: {  	_ = 	snop  }
0x7: {  	_ = 	snop  }
__scs_overlays_trampoline_lowered:
0x8: {  	[smem:$0x3FAC] =	sst s0  }
0x9: {  	[smem:$0x3FAD] =	sst s1  }
0xa: {  	[smem:$0x3FAE] =	sst s2  }
0xb: {  	[smem:$0x3FAF] =	sst s3  }
0xc: {  	[smem:$0x3FB0] =	sst s4  }
0xd: {  	[smem:$0x3FB1] =	sst s5  }
0xe: {  	[smem:$0x3FB2] =	sst s6  }
0xf: {  	[smem:$0x3FB3] =	sst s7  }
0x10: {  	[smem:$0x3FB4] =	sst s8  }
0x11: {  	[smem:$0x3FB5] =	sst s9;
	s0 =	simm.s32 @!p0 $0x0  }
0x12: {  	s1 =	sld [smem:$0x3F9B];
	s0 =	simm.s32 @p0 $0x1  }
0x13: {  	[smem:$0x3FB6] =	sst s0;
	s0 =	simm.s32 @!p1 $0x0  }
0x14: {  	s2 =	sld [smem:$0x3F9A];
	s0 =	simm.s32 @p1 $0x1  }
0x15: {  	[smem:$0x3FB7] =	sst s0;
	s0 =	simm.s32 @!p2 $0x0  }
0x16: {  	s3 =	sld [smem:$0x3FDB];
	s0 =	simm.s32 @p2 $0x1  }
0x17: {  	s4 =	simm.s32 $0x1BF5;
	[smem:$0x3FB9] =	sst s0  }
0x18: {  	s0 =	sld [smem:$0x3F9C];
	_ =	swait.ge [sflag:s4], $0x0  }
0x19: {  	s7 =	sld [smem:$0x3F9D]  }
0x1a: {  	s8 =	sadd.s32 $0xFFFFE003, lr  }
0x1b: {  	s9 =	sadd.s32 $0xFFFFFEF7, lr;
	s5 =	simm.s32 $0xFFFFFFFF;
	p2 =	slt.u32 s8, $0xFFFFF086  }
0x1c: {  	p1 =	slt.u32 s9, $0xF7A;
	s5 =	simm.s32 @!p2 $0x0  }
0x1d: {  	s5 =	simm.s32 @p1 $0x1;
	p0 =	seq.s32 s7, s2  }
0x1e: {  	s7 =	smul.u32 @!p0 $0xF7A, s2;
	p2 =	seq.s32 @!p0 s5, $0x0  }
0x1f: {  	s9 =	smul.u32 $0xF7A, s1;
	s8 =	simm.s32 @!p0 $0x1BF5;
	p2 =	por !p2, p0  }
0x20: {  	[sflag:s8] =	ssyncset.s32 @!p0 $0xFFFFF086;
	s6 =	sadd.s32 @!p0 s3, s7;
	s7 =	simm.s32 @!p0 $0x108  }
0x21: {  	s3 =	sadd.s32 s3, s9;
	s6 =	sadd.s32 @!p0 $0x88, s6;
	s7 =	simm.s32 @p2 $0x1082  }
0x22: {  	[simem:s7], [sflag:s8] =	dma.local @!p0 [hbm:s6], $0xF7A  }
0x23: {  	s9 =	sor.u32 $0xD0000000, s2;
	s6 =	simm.s32 $0x108;
	_ =	swait.ge @!p0 [sflag:s8], $0x0  }
0x24: {  	s3 =	sadd.s32 $0x88, s3;
	s6 =	simm.s32 @!p1 $0x1082;
	[sflag:s4] =	ssyncset.s32 $0xFFFFF086  }
0x25: {  	[simem:s6], [sflag:s4] =	dma.local [hbm:s3], $0xF7A  }
0x26: {  	[smem:$0x3F9D] =	sst s1;
	(tag) =	ssettag s2;
	_ =	strace s9  }
0x27: {  	s1 =	sld [smem:$0x3FAD]  }
0x28: {  	s2 =	sld [smem:$0x3FAE]  }
0x29: {  	s4 =	sld [smem:$0x3FB0]  }
0x2a: {  	p0 =	seq.s32 s5, $0x0;
	s5 =	sld [smem:$0x3FB1]  }
0x2b: {  	s6 =	sld [smem:$0x3FB2]  }
0x2c: {  	s7 =	sld [smem:$0x3FB3]  }
0x2d: {  	s3 =	simm.s32 $0x108;
	s8 =	sld [smem:$0x3FB4]  }
0x2e: {  	s3 =	simm.s32 @!p0 $0x1082;
	s9 =	sld [smem:$0x3FB5]  }
0x2f: {  	lr =	sadd.s32 s0, s3;
	s0 =	sld [smem:$0x3FAC]  }
0x30: {  	s3 =	sld [smem:$0x3FAF]  }
0x31: {  	[smem:$0x3FB8] =	sst s10  }
0x32: {  	s10 =	sld [smem:$0x3FB6];
	_ =	sdelay $0x3  }
0x33: {  	p0 =	seq.s32 s10, $0x1;
	s10 =	sld [smem:$0x3FB8];
	_ =	sdelay $0x3  }
0x34: {  	[smem:$0x3FB8] =	sst s10  }
0x35: {  	s10 =	sld [smem:$0x3FB7];
	_ =	sdelay $0x3  }
0x36: {  	p1 =	seq.s32 s10, $0x1;
	s10 =	sld [smem:$0x3FB8];
	_ =	sdelay $0x3  }
0x37: {  	[smem:$0x3FB8] =	sst s10  }
0x38: {  	s10 =	sld [smem:$0x3FB9]  }
0x39: {  	_ = 	snop;
	(pc) =	sbr.ind lr, $3  }
0x3a: {  	_ = 	snop  }
0x3b: {  	_ = 	snop  }
0x3c: {  	p2 =	seq.s32 s10, $0x1;
	s10 =	sld [smem:$0x3FB8]  }
0x3d: {  	_ =	shalt  }
0x3e: {  	_ =	shalt  }
0x3f: {  	_ =	shalt  }
0x40: {  	_ =	shalt  }
0x41: {  	_ =	shalt  }
0x42: {  	_ =	shalt  }
0x43: {  	_ =	shalt  }
0x44: {  	_ =	shalt  }
0x45: {  	_ =	shalt  }
0x46: {  	_ =	shalt  }
0x47: {  	_ =	shalt  }
0x48: {  	_ =	shalt  }
0x49: {  	_ =	shalt  }
0x4a: {  	_ =	shalt  }
0x4b: {  	_ =	shalt  }
0x4c: {  	_ =	shalt  }
0x4d: {  	_ =	shalt  }
0x4e: {  	_ =	shalt  }
0x4f: {  	_ =	shalt  }
0x50: {  	_ =	shalt  }
0x51: {  	_ =	shalt  }
0x52: {  	_ =	shalt  }
0x53: {  	_ =	shalt  }
0x54: {  	_ =	shalt  }
0x55: {  	_ =	shalt  }
0x56: {  	_ =	shalt  }
0x57: {  	_ =	shalt  }
0x58: {  	_ =	shalt  }
0x59: {  	_ =	shalt  }
0x5a: {  	_ =	shalt  }
0x5b: {  	_ =	shalt  }
0x5c: {  	_ =	shalt  }
0x5d: {  	_ =	shalt  }
0x5e: {  	_ =	shalt  }
0x5f: {  	_ =	shalt  }
0x60: {  	_ =	shalt  }
0x61: {  	_ =	shalt  }
0x62: {  	_ =	shalt  }
0x63: {  	_ =	shalt  }
0x64: {  	_ =	shalt  }
0x65: {  	_ =	shalt  }
0x66: {  	_ =	shalt  }
0x67: {  	_ =	shalt  }
0x68: {  	_ =	shalt  }
0x69: {  	_ =	shalt  }
0x6a: {  	_ =	shalt  }
0x6b: {  	_ =	shalt  }
0x6c: {  	_ =	shalt  }
0x6d: {  	_ =	shalt  }
0x6e: {  	_ =	shalt  }
0x6f: {  	_ =	shalt  }
0x70: {  	_ =	shalt  }
0x71: {  	_ =	shalt  }
0x72: {  	_ =	shalt  }
0x73: {  	_ =	shalt  }
0x74: {  	_ =	shalt  }
0x75: {  	_ =	shalt  }
0x76: {  	_ =	shalt  }
0x77: {  	_ =	shalt  }
0x78: {  	_ =	shalt  }
0x79: {  	_ =	shalt  }
0x7a: {  	_ =	shalt  }
0x7b: {  	_ =	shalt  }
0x7c: {  	_ =	shalt  }
0x7d: {  	_ =	shalt  }
0x7e: {  	_ =	shalt  }
0x7f: {  	_ =	shalt  }
0x80: {  	_ =	shalt  }
0x81: {  	_ =	shalt  }
0x82: {  	_ =	shalt  }
0x83: {  	_ =	shalt  }
0x84: {  	_ =	shalt  }
0x85: {  	_ =	shalt  }
0x86: {  	_ =	shalt  }
0x87: {  	_ =	shalt  }
.Lfunc_end0:
.L_simem_size_0:
called_computation_lowered:
.L_overlay_start_0:
0x88: {  	s2 =	sld [smem:$0x3FD9]  }
0x89: {  	s3 =	sld [smem:$0x3FFE];
	_ =	sdelay $0x1  }
0x8a: {  	s1 =	srdreg.scid  }
0x8b: {  	s0 =	sand.u32 $0x1, s1  }
0x8c: {  	s17 =	sshll.u32 s0, $0xA;
	s2 =	sadd.s32 s3, s2  }
0x8d: {  	s2 =	sadd.s32 s2, s17  }
0x8e: {  	[smem:$0x3FC4] =	sst s2  }
0x8f: {  	_ = 	snop  }
0x90: {  	s2 =	sld [smem:$0x3FC6]  }
0x91: {  	s18 =	sld [smem:$0x3FD0];
	(tm) =	ssettm $0x1  }
0x92: {  	s4 =	sld [smem:$0x3FFB];
	_ =	sdelay $0x3  }
0x93: {  	_ =	strace s4  }
0x94: {  	s4 =	sld [smem:$0x3FFC];
	_ =	sdelay $0x3  }
0x95: {  	_ =	strace s4  }
0x96: {  	s4 =	sld [smem:$0x3FFD];
	_ =	sdelay $0x3  }
0x97: {  	_ =	strace s4  }
0x98: {  	_ =	strace $0x8FFFFFFF  }
0x99: {  	s19 =	sld [smem:$0x3FDB];
	_ =	sdelay $0x1  }
0x9a: {  	s5 =	simm.s32 $_scs_section_size  }
0x9b: {  	s6 =	simm.s32 $_size__tile_overlayer_lowered;
	s7 =	simm.s32 $_tile_overlayer_lowered  }
0x9c: {  	s22 =	simm.s32 $0x1BFF;
	s21 =	sshll.u32 s7, $0x1;
	s4 =	sadd.s32 s5, s19  }
0x9d: {  	s8 =	simm.s32 $0x0;
	s20 =	sshll.u32 s6, $0x1;
	s6 =	sadd.s32 s21, s4  }
0x9e: {  	[timem:s8], [sflag:s22] =	dma.local [hbm:s6], s20  }
0x9f: {  	_ =	swait.ge [sflag:s22], s20  }
0xa0: {  	s5 =	ssub.s32 $0x0, s20;
	[sflag:s22] =	ssyncset.done $0x0  }
0xa1: {  	[sflag:s22] =	ssyncadd.s32 s5;
	_ =	sdelay $0x1  }
0xa2: {  	s23 =	simm.s32 $0x1B8B  }
0xa3: {  	_ =	swait.ge [sflag:s23], $0x1  }
0xa4: {  	[sflag:s23] =	ssyncset.done $0x0  }
0xa5: {  	s25 =	simm.s32 $0x1B8E;
	s24 =	sld [smem:$0x3FFE];
	[sflag:s23] =	ssyncadd.s32 $0xFFFFFFFF  }
0xa6: {  	s26 =	simm.s32 $execute0_lowered;
	[smem:$0x3FD2] =	sst s25  }
0xa7: {  	s6 =	sshll.u32 s26, $0x1;
	_ =	strace $0x80000046;
	[dreg:$0x1] =	wrdreg $0xFFFFFFFF  }
0xa8: {  	s28 =	simm.s32 $_size_execute0_lowered;
	s4 =	sadd.s32 s4, s6;
	[dreg:$0x0] =	wrdreg $0x0  }
0xa9: {  	s6 =	sshll.u32 s28, $0x1;
	[dreg:$0x2] =	wrdreg s4  }
0xaa: {  	[dreg:$0x3] =	wrdreg s6  }
0xab: {  	[dreg:$0x4] =	wrdreg $0xC0  }
0xac: {  	_ =	task [dreg:s8], $0x5FFFF  }
0xad: {  	[dreg:$0x1] =	wrdreg $0xFFFFFFFF  }
0xae: {  	[dreg:$0x0] =	wrdreg $0x60  }
0xaf: {  	[dreg:$0x2] =	wrdreg s18  }
0xb0: {  	[dreg:$0x3] =	wrdreg s24  }
0xb1: {  	[dreg:$0x4] =	wrdreg s2  }
0xb2: {  	[dreg:$0x5] =	wrdreg $0x9  }
0xb3: {  	_ =	task.clear_ibuf [dreg:s8], $0x6FFFF;
	_ =	strace $0x90000046  }
0xb4: {  	s29 =	simm.s32 $0x9;
	_ =	strace $0x80000048  }
0xb5: {  	_ =	swait.ge [sflag:s29], $0x1  }
0xb6: {  	[sflag:s29] =	ssyncadd.s32 $0xFFFFFFFF  }
0xb7: {  	_ =	strace $0x90000048  }
0xb8: {  	_ =	sfence  }
0xb9: {  	s30 =	sld [smem:$0x0];
	_ =	sdelay $0x2  }
0xba: {  	s31 =	sshll.u32 s1, $0xD;
	s1 =	sshrl.u32 s1, $0x2  }
0xbb: {  	s3 =	sand.u32 $0x4000, s31;
	s1 =	sadd.s32 s1, s30  }
0xbc: {  	s0 =	sor.u32 s3, s0;
	s1 =	sshll.u32 s1, $0x11  }
0xbd: {  	s0 =	sor.u32 s1, s0  }
0xbe: {  	s0 =	sadd.s32 $0x8F2B, s0  }
0xbf: {  	[sflag:s0] =	ssyncadd.remote.s32 $0x1  }
0xc0: {  	_ =	sfence.sel $0xFFFF  }
0xc1: {  	[dreg:$0x0] =	wrdreg $0xFFFFFFFF;
	(pc) =	sbr.abs _section_cstart, $3  }
0xc2: {  	[dreg:$0x1] =	wrdreg $0xFFFFFFFF  }
0xc3: {  	_ =	task.clear_ibuf [dreg:s8], $0x2FFFF;
	_ =	strace $0x9FFFFFFF  }
0xc4: {  	(tm) =	ssettm $0x7FFFFFFF  }
0xc5: {  	_ =	shalt  }
tec
execute0_lowered:
.L_overlay_start_1:
0x0: {  	(tag) =	ssettag $0x1  }
0x1: {  	s0 =	rddreg [dreg:$0x1]  }
0x2: {  	s1 =	srdreg.scid;
	s2 =	stileid.u32  }
0x3: {  	s3 =	simm.s32 $0x0;
	s1 =	sand.u32 $0x1, s1;
	s2 =	sshll.u32 s2, $0x1  }
0x4: {  	s9 =	simm.s32 $0x1;
	s11 =	simm.s32 $0x800;
	s2 =	sor.u32 s1, s2  }
0x5: {  	[smem:$0x7FF] =	sst s3;
	s29 =	sshll.u32 s2, $0x4;
	s2 =	smul.u32 $0x180000, s2  }
0x6: {  	s1 =	ssub.s32 $0x2, s1;
	_ =	strace $0x80000047;
	s0 =	sadd.s32 s29, s0  }
0x7: {  	s4 =	sshrl.u32 s1, $0x1;
	s0 =	sadd.s32 $0x400, s0;
	[dreg:$0x4] =	wrdreg s2  }
0x8: {  	s1 =	ssub.s32 s1, s4;
	s30 =	sadd.s32 $0xC0000, s2;
	[dreg:$0x5] =	wrdreg s0  }
0x9: {  	s12 =	simm.s32 $0x1000;
	s31 =	smax.u32 s1, $0x1;
	[dreg:$0x6] =	wrdreg s30  }
0xa: {  	s13 =	simm.s32 $0x6080;
	v0 =	vlaneseq.u32;
	s1 =	simm.s32 $0x0;
	[dreg:$0x7] =	wrdreg s31  }
.LBB2_1:
0xb: {  	[dreg:$0x8] =	wrdreg s1  }
0xc: {  	s0 =	rddreg [dreg:$0x2];
	s18 =	simm.s32 $0x0  }
0xd: {  	[tilespmem:s18], [sflag:$0x1] =	stream.linear.gather [hbm4b:s0+s18], $0x6000, $0x38;
	[tilespmem:$0xA880] =	vst v63  }
0xe: {  	_ =	swait.ge [sflag:s9], $0x6000  }
0xf: {  	[sflag:s9] =	ssyncset.done $0x0  }
0x10: {  	s2 =	simm.s32 $0x6000;
	s19 =	rddreg [dreg:$0x5];
	[sflag:s9] =	ssyncadd.s32 $0xFFFFA000  }
0x11: {  	[tilespmem:s2], [sflag:$0x1] =	stream.linear.gather [hbm4b:s19+s18], $0x80, $0x38;
	[tilespmem:$0xA880] =	vst v63  }
0x12: {  	_ =	swait.ge [sflag:s9], $0x80  }
0x13: {  	[sflag:s9] =	ssyncset.done $0x0  }
0x14: {  	[sflag:s9] =	ssyncadd.s32 $0xFFFFFF80  }
0x15: {  	v1 =	vld [tilespmem:$0x6000];
	_ =	sdelay $0x4  }
0x16: {  	(v2sf) =	vpush v1, $0x0  }
0x17: {  	(v2sf) =	vpush v1, $0x1;
	_ =	sdelay $0xc  }
0x18: {  	s4 =	simm.s32 $0x1  }
0x19: {  	s19 =	simm.s32 $0x20;
	s10 =	rddreg [dreg:$0x0];
	s20 =	spop (v2sf)  }
0x1a: {  	s21 =	spop (v2sf);
	s23 =	sshra.s32 s20, $0x1F;
	s5 =	sand.u32 $0x7, s20  }
0x1b: {  	p4 =	slt.s32 s20, $0x1;
	s14 =	sshll.u32 s20, $0x8;
	s29 =	sshll.u32 s20, $0x7  }
0x1c: {  	s22 =	sand.u32 $0x7F, s21;
	s3 =	sshra.s32 s21, $0x1F;
	p0 =	slt.s32 s21, $0x1  }
0x1d: {  	s2 =	sshrl.u32 s23, $0x1D;
	p5 =	sne.s32 s5, $0x0;
	p1 =	sne.s32 s22, $0x0  }
0x1e: {  	s5 =	simm.s32 $0x1;
	s3 =	sshrl.u32 s3, $0x19;
	p0 =	por !p0, !p1  }
0x1f: {  	s1 =	sand.u32 $0xF, s21;
	s3 =	sadd.s32 s3, s21;
	p0 =	por !p0, !p0  }
0x20: {  	s2 =	sadd.s32 s2, s20;
	s3 =	sshrl.u32 s3, $0x7;
	s4 =	simm.s32 @!p0 $0x0  }
0x21: {  	p2 =	sne.s32 s1, $0x0;
	s2 =	sshra.s32 s2, $0x3;
	s3 =	ssub.s32 s3, s4  }
0x22: {  	s16 =	sshll.u32 s2, $0xA;
	p0 =	por !p4, !p5;
	s3 =	sshll.u32 s3, $0x7  }
0x23: {  	p0 =	por !p0, !p0;
	s4 =	simm.s32 $0x1;
	p1 =	slt.s32 s3, $0x100  }
0x24: {  	s0 =	ssub.s32 s29, s16;
	s4 =	simm.s32 @!p0 $0x0;
	s3 =	simm.s32 @!p1 $0x100  }
0x25: {  	s26 =	ssub.s32 s2, s4;
	s6 =	ssub.s32 s21, s3;
	p1 =	sne.s32 s21, s3  }
0x26: {  	s25 =	sshll.u32 s26, $0xC;
	s7 =	sshra.s32 s6, $0x1F;
	s5 =	simm.s32 @!p1 $0x0  }
0x27: {  	s24 =	sshrl.u32 s7, $0x1C;
	s5 =	sor.u32 s5, s7;
	s7 =	rddreg [dreg:$0x4]  }
0x28: {  	s3 =	sshll.u32 s3, $0x3;
	p6 =	sne.s32 s5, $0x1;
	s1 =	sadd.s32 s7, s25  }
0x29: {  	s4 =	sadd.s32 s24, s6;
	s5 =	simm.s32 $0xFFFFFFFF;
	p1 =	por !p2, !p6  }
0x2a: {  	s28 =	sadd.s32 s3, s1;
	s1 =	simm.s32 $0x1;
	s8 =	sshra.s32 s4, $0x4  }
0x2b: {  	s5 =	simm.s32 @!p0 $0x0;
	p1 =	por !p1, !p1;
	s3 =	sshrl.u32 s28, $0x3  }
0x2c: {  	s17 =	sshll.u32 s5, $0xA;
	s1 =	simm.s32 @!p1 $0x0;
	s4 =	sadd.s32 s10, s3  }
0x2d: {  	[tilespmem:s13], [sflag:$0x1] =	stream.strided.gather [hbm4b:s4+s11], $0x4800, s12, s11, $0x38;
	[tilespmem:$0xA880] =	vst v63  }
0x2e: {  	s10 =	ssub.s32 s0, s17;
	s13 =	ssub.s32 s8, s1;
	s8 =	sshll.u32 s26, $0xB  }
0x2f: {  	s2 =	sadd.s32 $0x0, s10;
	_ =	swait.ge [sflag:s9], $0x4800;
	s25 =	ssub.s32 s14, s8  }
0x30: {  	s1 =	sshll.u32 s13, $0x4;
	s3 =	sshll.u32 s13, $0x7;
	s18 =	sand.u32 $0xFFFFF800, s25  }
0x31: {  	[sflag:s9] =	ssyncset.done $0x0;
	s16 =	sand.u32 $0xFFFFFC00, s3;
	s3 =	sadd.s32 $0x6080, s18  }
0x32: {  	s15 =	sand.u32 $0x70, s1;
	[sflag:s9] =	ssyncadd.s32 $0xFFFFB800;
	s20 =	sadd.s32 s16, s3  }
0x33: {  	s5 =	sand.u32 $0x380, s2;
	v3 =	vld [tilespmem:s19+$0xFFFFFFE0];
	s30 =	sadd.s32 s15, s20  }
0x34: {  	s21 =	ssub.s32 s6, s1;
	s7 =	sadd.s32 s5, s30  }
0x35: {  	v4 =	vmov s21;
	v5 =	vld [tilespmem:s7+$0x0]  }
0x36: {  	s22 =	sadd.s32 $0x10, s1;
	v2 =	vsub.s32 v0, v4  }
0x37: {  	s23 =	ssub.s32 s1, s6;
	s24 =	sshll.u32 s22, $0x3;
	v2 =	vand.u32 $0xF, v2  }
0x38: {  	v6 =	vadd.s32 s23, v0;
	s18 =	sand.u32 $0xFFFFFC00, s24;
	v3 =	vperm.xlane v3, v2  }
0x39: {  	s17 =	sand.u32 $0x70, s22;
	vm1 =	vlt.u32 v6, $0x40;
	v62 =	vld [tilespmem:s19+$0xFFFFFFF0];
	s12 =	sadd.s32 s18, s3  }
0x3a: {  	v7 =	vld [tilespmem:s19+$0x10];
	s31 =	sadd.s32 s17, s12;
	v5 =	vsel vm1, v3, v5  }
0x3b: {  	v8 =	vld [tilespmem:s19+$0x0];
	s13 =	sadd.s32 s5, s31;
	[tilespmem:s7+$0x0] =	vst v5  }
0x3c: {  	v5 =	vld [tilespmem:s13+$0x0]  }
0x3d: {  	s14 =	sadd.s32 $0x20, s1  }
0x3e: {  	s21 =	sshll.u32 s14, $0x3;
	s20 =	ssub.s32 s22, s6;
	v6 =	vperm.xlane v62, v2  }
0x3f: {  	vm0 =	vgt.s32 v4, v0;
	v4 =	vadd.s32 s20, v0;
	s20 =	sand.u32 $0xFFFFFC00, s21  }
0x40: {  	s19 =	sand.u32 $0x70, s14;
	vm2 =	vlt.u32 v4, $0x40;
	s22 =	sadd.s32 s20, s3;
	v3 =	vsel vm0, v3, v6  }
0x41: {  	s0 =	sadd.s32 s19, s22;
	v3 =	vsel vm2, v3, v5  }
0x42: {  	s23 =	sadd.s32 s5, s0;
	[tilespmem:s13+$0x0] =	vst v3  }
0x43: {  	v3 =	vld [tilespmem:s23+$0x0]  }
0x44: {  	s24 =	sadd.s32 $0x30, s1  }
0x45: {  	s8 =	ssub.s32 s14, s6;
	s12 =	sshll.u32 s24, $0x3;
	v4 =	vperm.xlane v8, v2  }
0x46: {  	s22 =	sand.u32 $0xFFFFFC00, s12;
	v5 =	vadd.s32 s8, v0  }
0x47: {  	s21 =	sand.u32 $0x70, s24;
	vm3 =	vlt.u32 v5, $0x40;
	v5 =	vsel vm0, v6, v4;
	s13 =	sadd.s32 s22, s3  }
0x48: {  	s2 =	sadd.s32 s21, s13;
	v3 =	vsel vm3, v5, v3  }
0x49: {  	s14 =	sadd.s32 s5, s2;
	[tilespmem:s23+$0x0] =	vst v3  }
0x4a: {  	v3 =	vld [tilespmem:s14+$0x0]  }
0x4b: {  	s1 =	sadd.s32 $0x40, s1  }
0x4c: {  	s12 =	ssub.s32 s24, s6;
	s13 =	sshll.u32 s1, $0x3;
	v5 =	vperm.xlane v7, v2  }
0x4d: {  	v63 =	vadd.s32 s12, v0;
	s24 =	sand.u32 $0xFFFFFC00, s13  }
0x4e: {  	vm4 =	vlt.u32 v63, $0x40;
	s3 =	sadd.s32 s24, s3;
	s23 =	sand.u32 $0x70, s1;
	v4 =	vsel vm0, v4, v5  }
0x4f: {  	s3 =	sadd.s32 s23, s3;
	v3 =	vsel vm4, v4, v3  }
0x50: {  	s11 =	sadd.s32 s5, s3;
	[tilespmem:s14+$0x0] =	vst v3  }
0x51: {  	v3 =	vld [tilespmem:s11+$0x0];
	_ =	sdelay $0x1  }
0x52: {  	s1 =	ssub.s32 s1, s6  }
0x53: {  	s8 =	sadd.s32 $0x100, s25;
	v4 =	vadd.s32 s1, v0  }
0x54: {  	s7 =	simm.s32 $0xA0;
	vm5 =	vlt.u32 v4, $0x40;
	s14 =	sand.u32 $0xFFFFF800, s8  }
0x55: {  	s5 =	simm.s32 $0x80;
	s1 =	simm.s32 $0x100;
	s6 =	sadd.s32 $0x6080, s14;
	v3 =	vsel vm5, v5, v3  }
.LBB2_2:
0x56: {  	s13 =	sadd.s32 s5, s10  }
0x57: {  	s14 =	sadd.s32 s16, s6;
	[tilespmem:s11+$0x0] =	vst v3;
	s5 =	smov.u32 s1;
	s12 =	sadd.s32 $0x80, s1  }
0x58: {  	p0 =	sne.s32 s1, $0x1F80;
	v3 =	vld [tilespmem:s7+$0xFFFFFFE0];
	s11 =	sand.u32 $0x380, s13;
	s1 =	sadd.s32 s15, s14  }
0x59: {  	s1 =	sadd.s32 s11, s1  }
0x5a: {  	v4 =	vld [tilespmem:s1+$0x0];
	_ =	sdelay $0x2  }
0x5b: {  	v5 =	vld [tilespmem:s7+$0x10];
	v3 =	vperm.xlane v3, v2  }
0x5c: {  	s13 =	sadd.s32 s18, s6;
	v6 =	vld [tilespmem:s7+$0xFFFFFFF0]  }
0x5d: {  	s13 =	sadd.s32 s17, s13;
	v7 =	vld [tilespmem:s7+$0x0];
	v4 =	vsel vm1, v3, v4  }
0x5e: {  	[tilespmem:s1+$0x0] =	vst v4;
	s1 =	sadd.s32 s11, s13  }
0x5f: {  	v4 =	vld [tilespmem:s1+$0x0];
	_ =	sdelay $0x1  }
0x60: {  	v6 =	vperm.xlane v6, v2  }
0x61: {  	v7 =	vperm.xlane v7, v2  }
0x62: {  	s13 =	sadd.s32 s20, s6;
	v3 =	vsel vm0, v3, v6  }
0x63: {  	s13 =	sadd.s32 s19, s13;
	v3 =	vsel vm2, v3, v4;
	v4 =	vsel vm0, v6, v7  }
0x64: {  	[tilespmem:s1+$0x0] =	vst v3;
	s1 =	sadd.s32 s11, s13  }
0x65: {  	v3 =	vld [tilespmem:s1+$0x0];
	_ =	sdelay $0x3  }
0x66: {  	s13 =	sadd.s32 s22, s6  }
0x67: {  	s13 =	sadd.s32 s21, s13;
	v3 =	vsel vm3, v4, v3  }
0x68: {  	[tilespmem:s1+$0x0] =	vst v3;
	s1 =	sadd.s32 s11, s13  }
0x69: {  	v3 =	vld [tilespmem:s1+$0x0];
	_ =	sdelay $0x1  }
0x6a: {  	v4 =	vperm.xlane v5, v2;
	_ =	sdelay $0x1  }
0x6b: {  	s6 =	sadd.s32 s24, s6;
	v5 =	vsel vm0, v7, v4  }
0x6c: {  	s6 =	sadd.s32 s23, s6;
	v3 =	vsel vm4, v5, v3  }
0x6d: {  	s11 =	sadd.s32 s11, s6;
	[tilespmem:s1+$0x0] =	vst v3  }
0x6e: {  	v3 =	vld [tilespmem:s11+$0x0]  }
.Ltmp0:
0x6f: {  	(pc) =	sbr.rel @p0 .LBB2_2-.Ltmp0, $4  }
0x70: {  	_ = 	snop  }
0x71: {  	s8 =	sadd.s32 $0x100, s8  }
0x72: {  	s1 =	sand.u32 $0xFFFFF800, s8  }
0x73: {  	s7 =	sadd.s32 $0x80, s7;
	s6 =	sadd.s32 $0x6080, s1;
	s1 =	smov.u32 s12;
	v3 =	vsel vm5, v4, v3  }
0x74: {  	s1 =	sadd.s32 s5, s10;
	s13 =	sadd.s32 s16, s6;
	[tilespmem:s11+$0x0] =	vst v3  }
0x75: {  	v3 =	vld [tilespmem:s7+$0xFFFFFFE0];
	s1 =	sand.u32 $0x380, s1;
	s5 =	sadd.s32 s15, s13  }
0x76: {  	s5 =	sadd.s32 s1, s5  }
0x77: {  	v4 =	vld [tilespmem:s5+$0x0];
	_ =	sdelay $0x2  }
0x78: {  	v3 =	vperm.xlane v3, v2  }
0x79: {  	s8 =	sadd.s32 s18, s6;
	v6 =	vld [tilespmem:s7+$0xFFFFFFF0]  }
0x7a: {  	v5 =	vld [tilespmem:s7+$0x10];
	s14 =	sadd.s32 s17, s8;
	v4 =	vsel vm1, v3, v4  }
0x7b: {  	v7 =	vld [tilespmem:s7+$0x0];
	s8 =	sadd.s32 s1, s14;
	[tilespmem:s5+$0x0] =	vst v4  }
0x7c: {  	v4 =	vld [tilespmem:s8+$0x0];
	_ =	sdelay $0x1  }
0x7d: {  	v6 =	vperm.xlane v6, v2;
	_ =	sdelay $0x1  }
0x7e: {  	s11 =	sadd.s32 s20, s6;
	v3 =	vsel vm0, v3, v6  }
0x7f: {  	s7 =	sadd.s32 s19, s11;
	v3 =	vsel vm2, v3, v4  }
0x80: {  	s12 =	sadd.s32 s1, s7;
	[tilespmem:s8+$0x0] =	vst v3  }
0x81: {  	v3 =	vld [tilespmem:s12+$0x0];
	_ =	sdelay $0x1  }
0x82: {  	v4 =	vperm.xlane v7, v2;
	_ =	sdelay $0x1  }
0x83: {  	s13 =	sadd.s32 s22, s6;
	v6 =	vsel vm0, v6, v4  }
0x84: {  	s7 =	sadd.s32 s21, s13;
	v3 =	vsel vm3, v6, v3  }
0x85: {  	s14 =	sadd.s32 s1, s7;
	[tilespmem:s12+$0x0] =	vst v3  }
0x86: {  	v3 =	vld [tilespmem:s14+$0x0];
	_ =	sdelay $0x1  }
0x87: {  	v5 =	vperm.xlane v5, v2;
	_ =	sdelay $0x1  }
0x88: {  	s7 =	sadd.s32 s24, s6;
	v4 =	vsel vm0, v4, v5  }
0x89: {  	s6 =	sadd.s32 s23, s7;
	v3 =	vsel vm4, v4, v3  }
0x8a: {  	s1 =	sadd.s32 s1, s6;
	[tilespmem:s14+$0x0] =	vst v3  }
0x8b: {  	v3 =	vld [tilespmem:s1+$0x0];
	_ =	sdelay $0x4  }
0x8c: {  	v3 =	vsel vm5, v5, v3  }
0x8d: {  	s11 =	simm.s32 $0x1000;
	s8 =	simm.s32 $0x800;
	s12 =	simm.s32 $0x6080;
	[tilespmem:s1+$0x0] =	vst v3  }
0x8e: {  	[hbm4b:s4+s8] =	stream.strided.scatter [tilespmem:s12], [sflag:$0x1], $0x4800, s11, s8, $0x38;
	[tilespmem:$0xA880] =	vst v63  }
0x8f: {  	_ =	swait.ge [sflag:s9], $0x4800  }
0x90: {  	[sflag:s9] =	ssyncset.done $0x0  }
0x91: {  	s13 =	sadd.s32 $0x40000, s28;
	[sflag:s9] =	ssyncadd.s32 $0xFFFFB800  }
0x92: {  	s1 =	sshrl.u32 s13, $0x3;
	s14 =	rddreg [dreg:$0x0]  }
0x93: {  	s4 =	sadd.s32 s14, s1  }
0x94: {  	[tilespmem:s12], [sflag:$0x1] =	stream.strided.gather [hbm4b:s4+s8], $0x4800, s11, s8, $0x38;
	[tilespmem:$0xA880] =	vst v63  }
0x95: {  	_ =	swait.ge [sflag:s9], $0x4800  }
0x96: {  	[sflag:s9] =	ssyncset.done $0x0  }
0x97: {  	s7 =	sadd.s32 $0x0, s10;
	s6 =	simm.s32 $0x2030;
	[sflag:s9] =	ssyncadd.s32 $0xFFFFB800  }
0x98: {  	s5 =	sand.u32 $0x380, s7;
	v3 =	vld [tilespmem:s6+$0xFFFFFFD0]  }
0x99: {  	s8 =	sadd.s32 s5, s30  }
0x9a: {  	v4 =	vld [tilespmem:s8+$0x0];
	_ =	sdelay $0x2  }
0x9b: {  	v3 =	vperm.xlane v3, v2  }
0x9c: {  	v62 =	vld [tilespmem:s6+$0xFFFFFFE0]  }
0x9d: {  	v5 =	vld [tilespmem:s6+$0x0];
	v4 =	vsel vm1, v3, v4  }
0x9e: {  	s11 =	sadd.s32 s5, s31;
	v63 =	vld [tilespmem:s6+$0xFFFFFFF0];
	[tilespmem:s8+$0x0] =	vst v4  }
0x9f: {  	v4 =	vld [tilespmem:s11+$0x0];
	_ =	sdelay $0x1  }
0xa0: {  	v6 =	vperm.xlane v62, v2;
	_ =	sdelay $0x1  }
0xa1: {  	v3 =	vsel vm0, v3, v6  }
0xa2: {  	v3 =	vsel vm2, v3, v4  }
0xa3: {  	s12 =	sadd.s32 s5, s0;
	[tilespmem:s11+$0x0] =	vst v3  }
0xa4: {  	v3 =	vld [tilespmem:s12+$0x0];
	_ =	sdelay $0x1  }
0xa5: {  	v4 =	vperm.xlane v63, v2;
	_ =	sdelay $0x1  }
0xa6: {  	v6 =	vsel vm0, v6, v4  }
0xa7: {  	v3 =	vsel vm3, v6, v3  }
0xa8: {  	s13 =	sadd.s32 s5, s2;
	[tilespmem:s12+$0x0] =	vst v3  }
0xa9: {  	v3 =	vld [tilespmem:s13+$0x0];
	_ =	sdelay $0x1  }
0xaa: {  	v5 =	vperm.xlane v5, v2;
	_ =	sdelay $0x1  }
0xab: {  	v4 =	vsel vm0, v4, v5  }
0xac: {  	v3 =	vsel vm4, v4, v3  }
0xad: {  	s11 =	sadd.s32 s5, s3;
	[tilespmem:s13+$0x0] =	vst v3  }
0xae: {  	v3 =	vld [tilespmem:s11+$0x0];
	_ =	sdelay $0x2  }
0xaf: {  	s8 =	sadd.s32 $0x100, s25  }
0xb0: {  	s7 =	simm.s32 $0x20B0;
	s14 =	sand.u32 $0xFFFFF800, s8  }
0xb1: {  	s6 =	sadd.s32 $0x6080, s14;
	s5 =	simm.s32 $0x80;
	s12 =	simm.s32 $0x100;
	v3 =	vsel vm5, v5, v3  }
.LBB2_4:
0xb2: {  	s13 =	sadd.s32 s5, s10  }
0xb3: {  	s14 =	sadd.s32 s16, s6;
	[tilespmem:s11+$0x0] =	vst v3;
	s5 =	smov.u32 s12;
	s1 =	sadd.s32 $0x80, s12  }
0xb4: {  	p0 =	sne.s32 s12, $0x1F80;
	v3 =	vld [tilespmem:s7+$0xFFFFFFD0];
	s11 =	sand.u32 $0x380, s13;
	s12 =	sadd.s32 s15, s14  }
0xb5: {  	s12 =	sadd.s32 s11, s12  }
0xb6: {  	v4 =	vld [tilespmem:s12+$0x0];
	_ =	sdelay $0x2  }
0xb7: {  	v5 =	vld [tilespmem:s7+$0x0];
	v3 =	vperm.xlane v3, v2  }
0xb8: {  	s13 =	sadd.s32 s18, s6;
	v6 =	vld [tilespmem:s7+$0xFFFFFFE0]  }
0xb9: {  	s13 =	sadd.s32 s17, s13;
	v7 =	vld [tilespmem:s7+$0xFFFFFFF0];
	v4 =	vsel vm1, v3, v4  }
0xba: {  	[tilespmem:s12+$0x0] =	vst v4;
	s12 =	sadd.s32 s11, s13  }
0xbb: {  	v4 =	vld [tilespmem:s12+$0x0];
	_ =	sdelay $0x1  }
0xbc: {  	v6 =	vperm.xlane v6, v2  }
0xbd: {  	v7 =	vperm.xlane v7, v2  }
0xbe: {  	s13 =	sadd.s32 s20, s6;
	v3 =	vsel vm0, v3, v6  }
0xbf: {  	s13 =	sadd.s32 s19, s13;
	v3 =	vsel vm2, v3, v4;
	v4 =	vsel vm0, v6, v7  }
0xc0: {  	[tilespmem:s12+$0x0] =	vst v3;
	s12 =	sadd.s32 s11, s13  }
0xc1: {  	v3 =	vld [tilespmem:s12+$0x0];
	_ =	sdelay $0x3  }
0xc2: {  	s13 =	sadd.s32 s22, s6  }
0xc3: {  	s13 =	sadd.s32 s21, s13;
	v3 =	vsel vm3, v4, v3  }
0xc4: {  	[tilespmem:s12+$0x0] =	vst v3;
	s12 =	sadd.s32 s11, s13  }
0xc5: {  	v3 =	vld [tilespmem:s12+$0x0];
	_ =	sdelay $0x1  }
0xc6: {  	v4 =	vperm.xlane v5, v2;
	_ =	sdelay $0x1  }
0xc7: {  	s6 =	sadd.s32 s24, s6;
	v5 =	vsel vm0, v7, v4  }
0xc8: {  	s6 =	sadd.s32 s23, s6;
	v3 =	vsel vm4, v5, v3  }
0xc9: {  	s11 =	sadd.s32 s11, s6;
	[tilespmem:s12+$0x0] =	vst v3  }
0xca: {  	v3 =	vld [tilespmem:s11+$0x0]  }
.Ltmp1:
0xcb: {  	(pc) =	sbr.rel @p0 .LBB2_4-.Ltmp1, $4  }
0xcc: {  	_ = 	snop  }
0xcd: {  	s8 =	sadd.s32 $0x100, s8  }
0xce: {  	s6 =	sand.u32 $0xFFFFF800, s8  }
0xcf: {  	s7 =	sadd.s32 $0x80, s7;
	s6 =	sadd.s32 $0x6080, s6;
	s12 =	smov.u32 s1;
	v3 =	vsel vm5, v4, v3  }
0xd0: {  	s1 =	sadd.s32 s5, s10;
	s13 =	sadd.s32 s16, s6;
	[tilespmem:s11+$0x0] =	vst v3  }
0xd1: {  	v3 =	vld [tilespmem:s7+$0xFFFFFFD0];
	s1 =	sand.u32 $0x380, s1;
	s5 =	sadd.s32 s15, s13  }
0xd2: {  	s5 =	sadd.s32 s1, s5  }
0xd3: {  	v4 =	vld [tilespmem:s5+$0x0];
	_ =	sdelay $0x2  }
0xd4: {  	v3 =	vperm.xlane v3, v2  }
0xd5: {  	s8 =	sadd.s32 s18, s6;
	v6 =	vld [tilespmem:s7+$0xFFFFFFE0]  }
0xd6: {  	v5 =	vld [tilespmem:s7+$0x0];
	s14 =	sadd.s32 s17, s8;
	v4 =	vsel vm1, v3, v4  }
0xd7: {  	v7 =	vld [tilespmem:s7+$0xFFFFFFF0];
	s8 =	sadd.s32 s1, s14;
	[tilespmem:s5+$0x0] =	vst v4  }
0xd8: {  	v4 =	vld [tilespmem:s8+$0x0];
	_ =	sdelay $0x1  }
0xd9: {  	v6 =	vperm.xlane v6, v2;
	_ =	sdelay $0x1  }
0xda: {  	s10 =	sadd.s32 s20, s6;
	v3 =	vsel vm0, v3, v6  }
0xdb: {  	s7 =	sadd.s32 s19, s10;
	v3 =	vsel vm2, v3, v4  }
0xdc: {  	s11 =	sadd.s32 s1, s7;
	[tilespmem:s8+$0x0] =	vst v3  }
0xdd: {  	v3 =	vld [tilespmem:s11+$0x0];
	_ =	sdelay $0x1  }
0xde: {  	v4 =	vperm.xlane v7, v2;
	_ =	sdelay $0x1  }
0xdf: {  	s12 =	sadd.s32 s22, s6;
	v6 =	vsel vm0, v6, v4  }
0xe0: {  	s7 =	sadd.s32 s21, s12;
	v3 =	vsel vm3, v6, v3  }
0xe1: {  	s13 =	sadd.s32 s1, s7;
	[tilespmem:s11+$0x0] =	vst v3  }
0xe2: {  	v3 =	vld [tilespmem:s13+$0x0];
	_ =	sdelay $0x1  }
0xe3: {  	v5 =	vperm.xlane v5, v2;
	_ =	sdelay $0x1  }
0xe4: {  	s14 =	sadd.s32 s24, s6;
	v4 =	vsel vm0, v4, v5  }
0xe5: {  	s6 =	sadd.s32 s23, s14;
	v3 =	vsel vm4, v4, v3  }
0xe6: {  	s1 =	sadd.s32 s1, s6;
	[tilespmem:s13+$0x0] =	vst v3  }
0xe7: {  	v3 =	vld [tilespmem:s1+$0x0];
	_ =	sdelay $0x4  }
0xe8: {  	v3 =	vsel vm5, v5, v3  }
0xe9: {  	s12 =	simm.s32 $0x1000;
	s11 =	simm.s32 $0x800;
	s13 =	simm.s32 $0x6080;
	[tilespmem:s1+$0x0] =	vst v3  }
0xea: {  	[hbm4b:s4+s11] =	stream.strided.scatter [tilespmem:s13], [sflag:$0x1], $0x4800, s12, s11, $0x38;
	[tilespmem:$0xA880] =	vst v63  }
0xeb: {  	_ =	swait.ge [sflag:s9], $0x4800  }
0xec: {  	[sflag:s9] =	ssyncset.done $0x0  }
0xed: {  	s6 =	sadd.s32 $0x80000, s28;
	[sflag:s9] =	ssyncadd.s32 $0xFFFFB800  }
0xee: {  	s1 =	sshrl.u32 s6, $0x3;
	s7 =	rddreg [dreg:$0x0]  }
0xef: {  	s4 =	sadd.s32 s7, s1  }
0xf0: {  	[tilespmem:s13], [sflag:$0x1] =	stream.strided.gather [hbm4b:s4+s11], $0x4800, s12, s11, $0x38;
	[tilespmem:$0xA880] =	vst v63  }
0xf1: {  	_ =	swait.ge [sflag:s9], $0x4800  }
0xf2: {  	s8 =	sshll.u32 s26, $0xA;
	[sflag:s9] =	ssyncset.done $0x0  }
0xf3: {  	s14 =	simm.s32 $0x0;
	s10 =	ssub.s32 s29, s8;
	[sflag:s9] =	ssyncadd.s32 $0xFFFFB800  }
0xf4: {  	s26 =	sand.u32 $0x380, s10;
	v3 =	vld [tilespmem:s14+$0x4000]  }
0xf5: {  	s28 =	sadd.s32 s26, s30  }
0xf6: {  	v4 =	vld [tilespmem:s28+$0x0];
	_ =	sdelay $0x2  }
0xf7: {  	v3 =	vperm.xlane v3, v2  }
0xf8: {  	v62 =	vld [tilespmem:s14+$0x4010]  }
0xf9: {  	v5 =	vld [tilespmem:s14+$0x4030];
	v4 =	vsel vm1, v3, v4  }
0xfa: {  	s29 =	sadd.s32 s26, s31;
	v63 =	vld [tilespmem:s14+$0x4020];
	[tilespmem:s28+$0x0] =	vst v4  }
0xfb: {  	v4 =	vld [tilespmem:s29+$0x0];
	_ =	sdelay $0x1  }
0xfc: {  	v6 =	vperm.xlane v62, v2;
	_ =	sdelay $0x1  }
0xfd: {  	v3 =	vsel vm0, v3, v6  }
0xfe: {  	v3 =	vsel vm2, v3, v4  }
0xff: {  	s0 =	sadd.s32 s26, s0;
	[tilespmem:s29+$0x0] =	vst v3  }
0x100: {  	v3 =	vld [tilespmem:s0+$0x0];
	_ =	sdelay $0x1  }
0x101: {  	v4 =	vperm.xlane v63, v2;
	_ =	sdelay $0x1  }
0x102: {  	v6 =	vsel vm0, v6, v4  }
0x103: {  	v3 =	vsel vm3, v6, v3  }
0x104: {  	s30 =	sadd.s32 s26, s2;
	[tilespmem:s0+$0x0] =	vst v3  }
0x105: {  	v3 =	vld [tilespmem:s30+$0x0];
	_ =	sdelay $0x1  }
0x106: {  	v5 =	vperm.xlane v5, v2;
	_ =	sdelay $0x1  }
0x107: {  	v4 =	vsel vm0, v4, v5  }
0x108: {  	v3 =	vsel vm4, v4, v3  }
0x109: {  	s1 =	sadd.s32 s26, s3;
	[tilespmem:s30+$0x0] =	vst v3  }
0x10a: {  	v3 =	vld [tilespmem:s1+$0x0];
	_ =	sdelay $0x2  }
0x10b: {  	s3 =	sadd.s32 $0x100, s25  }
0x10c: {  	s2 =	simm.s32 $0x80;
	s31 =	sand.u32 $0xFFFFF800, s3  }
0x10d: {  	s6 =	sadd.s32 $0x80, s10;
	s7 =	simm.s32 $0x400;
	s0 =	sadd.s32 $0x6080, s31;
	v3 =	vsel vm5, v5, v3  }
.LBB2_6:
0x10e: {  	s8 =	sshra.s32 s7, $0x2  }
0x10f: {  	s10 =	sadd.s32 s16, s0;
	[tilespmem:s1+$0x0] =	vst v3;
	s1 =	smov.u32 s7;
	s5 =	sadd.s32 $0x200, s7  }
0x110: {  	p0 =	sne.s32 s7, $0x7E00;
	v3 =	vld [tilespmem:s2+$0x4000];
	s1 =	sand.u32 $0x380, s6;
	s7 =	sadd.s32 s15, s10  }
0x111: {  	s7 =	sadd.s32 s1, s7  }
0x112: {  	v4 =	vld [tilespmem:s7+$0x0];
	_ =	sdelay $0x2  }
0x113: {  	v5 =	vld [tilespmem:s2+$0x4030];
	v3 =	vperm.xlane v3, v2  }
0x114: {  	s10 =	sadd.s32 s18, s0;
	v6 =	vld [tilespmem:s2+$0x4010]  }
0x115: {  	s10 =	sadd.s32 s17, s10;
	v7 =	vld [tilespmem:s2+$0x4020];
	v4 =	vsel vm1, v3, v4;
	s2 =	smov.u32 s8  }
0x116: {  	[tilespmem:s7+$0x0] =	vst v4;
	s7 =	sadd.s32 s1, s10  }
0x117: {  	v4 =	vld [tilespmem:s7+$0x0];
	_ =	sdelay $0x1  }
0x118: {  	v6 =	vperm.xlane v6, v2  }
0x119: {  	v7 =	vperm.xlane v7, v2  }
0x11a: {  	s8 =	sadd.s32 s20, s0;
	v3 =	vsel vm0, v3, v6  }
0x11b: {  	s8 =	sadd.s32 s19, s8;
	v3 =	vsel vm2, v3, v4;
	v4 =	vsel vm0, v6, v7  }
0x11c: {  	[tilespmem:s7+$0x0] =	vst v3;
	s7 =	sadd.s32 s1, s8  }
0x11d: {  	v3 =	vld [tilespmem:s7+$0x0];
	_ =	sdelay $0x3  }
0x11e: {  	s8 =	sadd.s32 s22, s0  }
0x11f: {  	s8 =	sadd.s32 s21, s8;
	v3 =	vsel vm3, v4, v3  }
0x120: {  	[tilespmem:s7+$0x0] =	vst v3;
	s7 =	sadd.s32 s1, s8  }
0x121: {  	v3 =	vld [tilespmem:s7+$0x0];
	_ =	sdelay $0x1  }
0x122: {  	v4 =	vperm.xlane v5, v2;
	_ =	sdelay $0x1  }
0x123: {  	s0 =	sadd.s32 s24, s0;
	v5 =	vsel vm0, v7, v4  }
0x124: {  	s0 =	sadd.s32 s23, s0;
	v3 =	vsel vm4, v5, v3  }
0x125: {  	s1 =	sadd.s32 s1, s0;
	[tilespmem:s7+$0x0] =	vst v3  }
0x126: {  	v3 =	vld [tilespmem:s1+$0x0]  }
.Ltmp2:
0x127: {  	(pc) =	sbr.rel @p0 .LBB2_6-.Ltmp2, $4  }
0x128: {  	_ = 	snop  }
0x129: {  	s3 =	sadd.s32 $0x100, s3  }
0x12a: {  	s0 =	sand.u32 $0xFFFFF800, s3  }
0x12b: {  	s6 =	sadd.s32 $0x80, s6;
	s0 =	sadd.s32 $0x6080, s0;
	s7 =	smov.u32 s5;
	v3 =	vsel vm5, v4, v3  }
0x12c: {  	s3 =	sadd.s32 s16, s0;
	[tilespmem:s1+$0x0] =	vst v3  }
0x12d: {  	s25 =	sand.u32 $0x380, s6;
	v3 =	vld [tilespmem:s2+$0x4000];
	s3 =	sadd.s32 s15, s3  }
0x12e: {  	s3 =	sadd.s32 s25, s3  }
0x12f: {  	v4 =	vld [tilespmem:s3+$0x0];
	_ =	sdelay $0x2  }
0x130: {  	v3 =	vperm.xlane v3, v2  }
0x131: {  	s5 =	sadd.s32 s18, s0;
	v6 =	vld [tilespmem:s2+$0x4010]  }
0x132: {  	v5 =	vld [tilespmem:s2+$0x4030];
	s26 =	sadd.s32 s17, s5;
	v4 =	vsel vm1, v3, v4  }
0x133: {  	v7 =	vld [tilespmem:s2+$0x4020];
	s2 =	sadd.s32 s25, s26;
	[tilespmem:s3+$0x0] =	vst v4  }
0x134: {  	v4 =	vld [tilespmem:s2+$0x0];
	_ =	sdelay $0x1  }
0x135: {  	v6 =	vperm.xlane v6, v2;
	_ =	sdelay $0x1  }
0x136: {  	s5 =	sadd.s32 s20, s0;
	v3 =	vsel vm0, v3, v6  }
0x137: {  	s3 =	sadd.s32 s19, s5;
	v3 =	vsel vm2, v3, v4  }
0x138: {  	s6 =	sadd.s32 s25, s3;
	[tilespmem:s2+$0x0] =	vst v3  }
0x139: {  	v3 =	vld [tilespmem:s6+$0x0];
	_ =	sdelay $0x1  }
0x13a: {  	v54 =	vperm.xlane v7, v2;
	_ =	sdelay $0x1  }
0x13b: {  	s7 =	sadd.s32 s22, s0;
	v6 =	vsel vm0, v6, v54  }
0x13c: {  	s3 =	sadd.s32 s21, s7;
	v3 =	vsel vm3, v6, v3  }
0x13d: {  	s8 =	sadd.s32 s25, s3;
	[tilespmem:s6+$0x0] =	vst v3  }
0x13e: {  	v3 =	vld [tilespmem:s8+$0x0];
	_ =	sdelay $0x1  }
0x13f: {  	v2 =	vperm.xlane v5, v2;
	_ =	sdelay $0x1  }
0x140: {  	s10 =	sadd.s32 s24, s0;
	v4 =	vsel vm0, v54, v2  }
0x141: {  	s0 =	sadd.s32 s23, s10;
	v3 =	vsel vm4, v4, v3  }
0x142: {  	s0 =	sadd.s32 s25, s0;
	[tilespmem:s8+$0x0] =	vst v3  }
0x143: {  	v3 =	vld [tilespmem:s0+$0x0];
	_ =	sdelay $0x4  }
0x144: {  	v2 =	vsel vm5, v2, v3  }
0x145: {  	[tilespmem:s0+$0x0] =	vst v2  }
0x146: {  	[hbm4b:s4+s11] =	stream.strided.scatter [tilespmem:s13], [sflag:$0x1], $0x4800, s12, s11, $0x38;
	[tilespmem:$0xA880] =	vst v63  }
0x147: {  	_ =	swait.ge [sflag:s9], $0x4800  }
0x148: {  	(v2sf) =	vpush v1, $0x2  }
0x149: {  	(v2sf) =	vpush v1, $0x3;
	_ =	sdelay $0xc  }
0x14a: {  	s5 =	simm.s32 $0x1;
	s3 =	simm.s32 $0x1;
	[sflag:s9] =	ssyncset.done $0x0  }
0x14b: {  	s24 =	rddreg [dreg:$0x6];
	[sflag:s9] =	ssyncadd.s32 $0xFFFFB800;
	s14 =	spop (v2sf)  }
0x14c: {  	s15 =	spop (v2sf);
	s19 =	sshra.s32 s14, $0x1F;
	s20 =	sand.u32 $0x7, s14  }
0x14d: {  	p4 =	slt.s32 s14, $0x1;
	s10 =	sshll.u32 s14, $0x8;
	s29 =	sshll.u32 s14, $0x7  }
0x14e: {  	s16 =	sand.u32 $0x7F, s15;
	s17 =	sshra.s32 s15, $0x1F;
	p0 =	slt.s32 s15, $0x1  }
0x14f: {  	s4 =	sshrl.u32 s19, $0x1D;
	p5 =	sne.s32 s20, $0x0;
	p1 =	sne.s32 s16, $0x0  }
0x150: {  	s1 =	sand.u32 $0xF, s15;
	s18 =	sshrl.u32 s17, $0x19;
	p0 =	por !p0, !p1  }
0x151: {  	s21 =	sadd.s32 s4, s14;
	s2 =	sadd.s32 s18, s15;
	p0 =	por !p0, !p0  }
0x152: {  	s2 =	sshrl.u32 s2, $0x7;
	s3 =	simm.s32 @!p0 $0x0;
	p0 =	por !p4, !p5  }
0x153: {  	s4 =	simm.s32 $0x1;
	s2 =	ssub.s32 s2, s3;
	p0 =	por !p0, !p0  }
0x154: {  	s3 =	sshra.s32 s21, $0x3;
	s2 =	sshll.u32 s2, $0x7;
	s5 =	simm.s32 @!p0 $0x0  }
0x155: {  	p2 =	sne.s32 s1, $0x0;
	p1 =	slt.s32 s2, $0x100;
	s26 =	ssub.s32 s3, s5  }
0x156: {  	s5 =	simm.s32 $0xFFFFFFFF;
	s2 =	simm.s32 @!p1 $0x100;
	s22 =	sshll.u32 s26, $0xC  }
0x157: {  	s6 =	ssub.s32 s15, s2;
	p1 =	sne.s32 s15, s2;
	s1 =	sadd.s32 s22, s24  }
0x158: {  	s2 =	sshll.u32 s2, $0x3;
	s7 =	sshra.s32 s6, $0x1F;
	s4 =	simm.s32 @!p1 $0x0  }
0x159: {  	s28 =	sadd.s32 s2, s1;
	s1 =	simm.s32 $0x1;
	s4 =	sor.u32 s4, s7  }
0x15a: {  	s23 =	sshrl.u32 s7, $0x1C;
	s2 =	sshrl.u32 s28, $0x3;
	p6 =	sne.s32 s4, $0x1  }
0x15b: {  	s7 =	rddreg [dreg:$0x0];
	s4 =	sadd.s32 s23, s6;
	p1 =	por !p2, !p6  }
0x15c: {  	s25 =	sshra.s32 s4, $0x4;
	s4 =	sadd.s32 s7, s2;
	p1 =	por !p1, !p1  }
0x15d: {  	[tilespmem:s13], [sflag:$0x1] =	stream.strided.gather [hbm4b:s4+s11], $0x4800, s12, s11, $0x38;
	[tilespmem:$0xA880] =	vst v63  }
0x15e: {  	s14 =	simm.s32 $0x20;
	s5 =	simm.s32 @!p0 $0x0;
	s1 =	simm.s32 @!p1 $0x0  }
0x15f: {  	s11 =	sshll.u32 s3, $0xA;
	_ =	swait.ge [sflag:s9], $0x4800;
	s8 =	ssub.s32 s25, s1  }
0x160: {  	s1 =	sshll.u32 s8, $0x4;
	s2 =	sshll.u32 s8, $0x7;
	s8 =	sshll.u32 s26, $0xB  }
0x161: {  	s12 =	sshll.u32 s5, $0xA;
	[sflag:s9] =	ssyncset.done $0x0;
	s25 =	ssub.s32 s10, s8  }
0x162: {  	s0 =	ssub.s32 s29, s11;
	[sflag:s9] =	ssyncadd.s32 $0xFFFFB800;
	s13 =	sand.u32 $0xFFFFF800, s25  }
0x163: {  	s16 =	sand.u32 $0xFFFFFC00, s2;
	s10 =	ssub.s32 s0, s12;
	s3 =	sadd.s32 $0x6080, s13  }
0x164: {  	s15 =	sand.u32 $0x70, s1;
	s19 =	sadd.s32 $0x0, s10;
	s20 =	sadd.s32 s16, s3  }
0x165: {  	v2 =	vld [tilespmem:s14+$0xFFFFFFE0];
	s5 =	sand.u32 $0x380, s19;
	s30 =	sadd.s32 s15, s20  }
0x166: {  	s21 =	ssub.s32 s6, s1;
	s7 =	sadd.s32 s5, s30  }
0x167: {  	v3 =	vmov s21;
	v55 =	vld [tilespmem:s7+$0x0]  }
0x168: {  	s22 =	sadd.s32 $0x10, s1;
	v1 =	vsub.s32 v0, v3  }
0x169: {  	s23 =	ssub.s32 s1, s6;
	s24 =	sshll.u32 s22, $0x3;
	v1 =	vand.u32 $0xF, v1  }
0x16a: {  	v56 =	vadd.s32 s23, v0;
	s18 =	sand.u32 $0xFFFFFC00, s24;
	v2 =	vperm.xlane v2, v1  }
0x16b: {  	v58 =	vld [tilespmem:s14+$0xFFFFFFF0];
	s17 =	sand.u32 $0x70, s22;
	vm1 =	vlt.u32 v56, $0x40;
	s12 =	sadd.s32 s18, s3  }
0x16c: {  	v57 =	vld [tilespmem:s14+$0x10];
	s31 =	sadd.s32 s17, s12;
	v4 =	vsel vm1, v2, v55  }
0x16d: {  	v59 =	vld [tilespmem:s14+$0x0];
	s13 =	sadd.s32 s5, s31;
	[tilespmem:s7+$0x0] =	vst v4  }
0x16e: {  	v4 =	vld [tilespmem:s13+$0x0]  }
0x16f: {  	s14 =	sadd.s32 $0x20, s1  }
0x170: {  	s21 =	sshll.u32 s14, $0x3;
	s20 =	ssub.s32 s22, s6;
	v5 =	vperm.xlane v58, v1  }
0x171: {  	vm0 =	vgt.s32 v3, v0;
	v3 =	vadd.s32 s20, v0;
	s20 =	sand.u32 $0xFFFFFC00, s21  }
0x172: {  	s19 =	sand.u32 $0x70, s14;
	vm2 =	vlt.u32 v3, $0x40;
	s22 =	sadd.s32 s20, s3;
	v2 =	vsel vm0, v2, v5  }
0x173: {  	s0 =	sadd.s32 s19, s22;
	v2 =	vsel vm2, v2, v4  }
0x174: {  	s23 =	sadd.s32 s5, s0;
	[tilespmem:s13+$0x0] =	vst v2  }
0x175: {  	v2 =	vld [tilespmem:s23+$0x0]  }
0x176: {  	s24 =	sadd.s32 $0x30, s1  }
0x177: {  	s8 =	ssub.s32 s14, s6;
	s12 =	sshll.u32 s24, $0x3;
	v3 =	vperm.xlane v59, v1  }
0x178: {  	v60 =	vadd.s32 s8, v0;
	s22 =	sand.u32 $0xFFFFFC00, s12  }
0x179: {  	vm3 =	vlt.u32 v60, $0x40;
	s21 =	sand.u32 $0x70, s24;
	v61 =	vsel vm0, v5, v3;
	s13 =	sadd.s32 s22, s3  }
0x17a: {  	s2 =	sadd.s32 s21, s13;
	v2 =	vsel vm3, v61, v2  }
0x17b: {  	s14 =	sadd.s32 s5, s2;
	[tilespmem:s23+$0x0] =	vst v2  }
0x17c: {  	v2 =	vld [tilespmem:s14+$0x0]  }
0x17d: {  	s1 =	sadd.s32 $0x40, s1  }
0x17e: {  	v62 =	vperm.xlane v57, v1;
	s12 =	ssub.s32 s24, s6;
	s13 =	sshll.u32 s1, $0x3  }
0x17f: {  	v63 =	vadd.s32 s12, v0;
	s24 =	sand.u32 $0xFFFFFC00, s13  }
0x180: {  	v3 =	vsel vm0, v3, v62;
	vm4 =	vlt.u32 v63, $0x40;
	s3 =	sadd.s32 s24, s3;
	s23 =	sand.u32 $0x70, s1  }
0x181: {  	s3 =	sadd.s32 s23, s3;
	v2 =	vsel vm4, v3, v2  }
0x182: {  	s11 =	sadd.s32 s5, s3;
	[tilespmem:s14+$0x0] =	vst v2  }
0x183: {  	v2 =	vld [tilespmem:s11+$0x0];
	_ =	sdelay $0x1  }
0x184: {  	s1 =	ssub.s32 s1, s6  }
0x185: {  	s8 =	sadd.s32 $0x100, s25;
	v3 =	vadd.s32 s1, v0  }
0x186: {  	s12 =	simm.s32 $0x100;
	vm5 =	vlt.u32 v3, $0x40;
	s14 =	sand.u32 $0xFFFFF800, s8  }
0x187: {  	s7 =	simm.s32 $0xA0;
	s5 =	simm.s32 $0x80;
	s6 =	sadd.s32 $0x6080, s14;
	v2 =	vsel vm5, v62, v2  }
.LBB2_8:
0x188: {  	s13 =	sadd.s32 s5, s10  }
0x189: {  	s14 =	sadd.s32 s16, s6;
	[tilespmem:s11+$0x0] =	vst v2;
	s5 =	smov.u32 s12;
	s1 =	sadd.s32 $0x80, s12  }
0x18a: {  	p0 =	sne.s32 s12, $0x1F80;
	v2 =	vld [tilespmem:s7+$0xFFFFFFE0];
	s11 =	sand.u32 $0x380, s13;
	s12 =	sadd.s32 s15, s14  }
0x18b: {  	s12 =	sadd.s32 s11, s12  }
0x18c: {  	v3 =	vld [tilespmem:s12+$0x0];
	_ =	sdelay $0x2  }
0x18d: {  	v4 =	vld [tilespmem:s7+$0x10];
	v2 =	vperm.xlane v2, v1  }
0x18e: {  	s13 =	sadd.s32 s18, s6;
	v5 =	vld [tilespmem:s7+$0xFFFFFFF0]  }
0x18f: {  	s13 =	sadd.s32 s17, s13;
	v6 =	vld [tilespmem:s7+$0x0];
	v3 =	vsel vm1, v2, v3  }
0x190: {  	[tilespmem:s12+$0x0] =	vst v3;
	s12 =	sadd.s32 s11, s13  }
0x191: {  	v3 =	vld [tilespmem:s12+$0x0];
	_ =	sdelay $0x1  }
0x192: {  	v5 =	vperm.xlane v5, v1  }
0x193: {  	v6 =	vperm.xlane v6, v1  }
0x194: {  	s13 =	sadd.s32 s20, s6;
	v2 =	vsel vm0, v2, v5  }
0x195: {  	s13 =	sadd.s32 s19, s13;
	v2 =	vsel vm2, v2, v3;
	v3 =	vsel vm0, v5, v6  }
0x196: {  	[tilespmem:s12+$0x0] =	vst v2;
	s12 =	sadd.s32 s11, s13  }
0x197: {  	v2 =	vld [tilespmem:s12+$0x0];
	_ =	sdelay $0x3  }
0x198: {  	s13 =	sadd.s32 s22, s6  }
0x199: {  	s13 =	sadd.s32 s21, s13;
	v2 =	vsel vm3, v3, v2  }
0x19a: {  	[tilespmem:s12+$0x0] =	vst v2;
	s12 =	sadd.s32 s11, s13  }
0x19b: {  	v2 =	vld [tilespmem:s12+$0x0];
	_ =	sdelay $0x1  }
0x19c: {  	v3 =	vperm.xlane v4, v1;
	_ =	sdelay $0x1  }
0x19d: {  	s6 =	sadd.s32 s24, s6;
	v4 =	vsel vm0, v6, v3  }
0x19e: {  	s6 =	sadd.s32 s23, s6;
	v2 =	vsel vm4, v4, v2  }
0x19f: {  	s11 =	sadd.s32 s11, s6;
	[tilespmem:s12+$0x0] =	vst v2  }
0x1a0: {  	v2 =	vld [tilespmem:s11+$0x0]  }
.Ltmp3:
0x1a1: {  	(pc) =	sbr.rel @p0 .LBB2_8-.Ltmp3, $4  }
0x1a2: {  	_ = 	snop  }
0x1a3: {  	s8 =	sadd.s32 $0x100, s8  }
0x1a4: {  	s6 =	sand.u32 $0xFFFFF800, s8  }
0x1a5: {  	s7 =	sadd.s32 $0x80, s7;
	s6 =	sadd.s32 $0x6080, s6;
	s12 =	smov.u32 s1;
	v2 =	vsel vm5, v3, v2  }
0x1a6: {  	s1 =	sadd.s32 s5, s10;
	s13 =	sadd.s32 s16, s6;
	[tilespmem:s11+$0x0] =	vst v2  }
0x1a7: {  	v2 =	vld [tilespmem:s7+$0xFFFFFFE0];
	s1 =	sand.u32 $0x380, s1;
	s5 =	sadd.s32 s15, s13  }
0x1a8: {  	s5 =	sadd.s32 s1, s5  }
0x1a9: {  	v3 =	vld [tilespmem:s5+$0x0];
	_ =	sdelay $0x2  }
0x1aa: {  	v2 =	vperm.xlane v2, v1  }
0x1ab: {  	s8 =	sadd.s32 s18, s6;
	v5 =	vld [tilespmem:s7+$0xFFFFFFF0]  }
0x1ac: {  	v4 =	vld [tilespmem:s7+$0x10];
	s14 =	sadd.s32 s17, s8;
	v3 =	vsel vm1, v2, v3  }
0x1ad: {  	v6 =	vld [tilespmem:s7+$0x0];
	s8 =	sadd.s32 s1, s14;
	[tilespmem:s5+$0x0] =	vst v3  }
0x1ae: {  	v3 =	vld [tilespmem:s8+$0x0];
	_ =	sdelay $0x1  }
0x1af: {  	v5 =	vperm.xlane v5, v1;
	_ =	sdelay $0x1  }
0x1b0: {  	s11 =	sadd.s32 s20, s6;
	v2 =	vsel vm0, v2, v5  }
0x1b1: {  	s7 =	sadd.s32 s19, s11;
	v2 =	vsel vm2, v2, v3  }
0x1b2: {  	s12 =	sadd.s32 s1, s7;
	[tilespmem:s8+$0x0] =	vst v2  }
0x1b3: {  	v2 =	vld [tilespmem:s12+$0x0];
	_ =	sdelay $0x1  }
0x1b4: {  	v3 =	vperm.xlane v6, v1;
	_ =	sdelay $0x1  }
0x1b5: {  	s13 =	sadd.s32 s22, s6;
	v5 =	vsel vm0, v5, v3  }
0x1b6: {  	s7 =	sadd.s32 s21, s13;
	v2 =	vsel vm3, v5, v2  }
0x1b7: {  	s14 =	sadd.s32 s1, s7;
	[tilespmem:s12+$0x0] =	vst v2  }
0x1b8: {  	v2 =	vld [tilespmem:s14+$0x0];
	_ =	sdelay $0x1  }
0x1b9: {  	v4 =	vperm.xlane v4, v1;
	_ =	sdelay $0x1  }
0x1ba: {  	s7 =	sadd.s32 s24, s6;
	v3 =	vsel vm0, v3, v4  }
0x1bb: {  	s6 =	sadd.s32 s23, s7;
	v2 =	vsel vm4, v3, v2  }
0x1bc: {  	s1 =	sadd.s32 s1, s6;
	[tilespmem:s14+$0x0] =	vst v2  }
0x1bd: {  	v2 =	vld [tilespmem:s1+$0x0];
	_ =	sdelay $0x4  }
0x1be: {  	v2 =	vsel vm5, v4, v2  }
0x1bf: {  	s11 =	simm.s32 $0x1000;
	s8 =	simm.s32 $0x800;
	s12 =	simm.s32 $0x6080;
	[tilespmem:s1+$0x0] =	vst v2  }
0x1c0: {  	[hbm4b:s4+s8] =	stream.strided.scatter [tilespmem:s12], [sflag:$0x1], $0x4800, s11, s8, $0x38;
	[tilespmem:$0xA880] =	vst v63  }
0x1c1: {  	_ =	swait.ge [sflag:s9], $0x4800  }
0x1c2: {  	[sflag:s9] =	ssyncset.done $0x0  }
0x1c3: {  	s13 =	sadd.s32 $0x40000, s28;
	[sflag:s9] =	ssyncadd.s32 $0xFFFFB800  }
0x1c4: {  	s1 =	sshrl.u32 s13, $0x3;
	s14 =	rddreg [dreg:$0x0]  }
0x1c5: {  	s4 =	sadd.s32 s14, s1  }
0x1c6: {  	[tilespmem:s12], [sflag:$0x1] =	stream.strided.gather [hbm4b:s4+s8], $0x4800, s11, s8, $0x38;
	[tilespmem:$0xA880] =	vst v63  }
0x1c7: {  	_ =	swait.ge [sflag:s9], $0x4800  }
0x1c8: {  	[sflag:s9] =	ssyncset.done $0x0  }
0x1c9: {  	s7 =	sadd.s32 $0x0, s10;
	s6 =	simm.s32 $0x2030;
	[sflag:s9] =	ssyncadd.s32 $0xFFFFB800  }
0x1ca: {  	s5 =	sand.u32 $0x380, s7;
	v2 =	vld [tilespmem:s6+$0xFFFFFFD0]  }
0x1cb: {  	s8 =	sadd.s32 s5, s30  }
0x1cc: {  	v3 =	vld [tilespmem:s8+$0x0];
	_ =	sdelay $0x2  }
0x1cd: {  	v2 =	vperm.xlane v2, v1  }
0x1ce: {  	v62 =	vld [tilespmem:s6+$0xFFFFFFE0]  }
0x1cf: {  	v61 =	vld [tilespmem:s6+$0x0];
	v3 =	vsel vm1, v2, v3  }
0x1d0: {  	s11 =	sadd.s32 s5, s31;
	v63 =	vld [tilespmem:s6+$0xFFFFFFF0];
	[tilespmem:s8+$0x0] =	vst v3  }
0x1d1: {  	v3 =	vld [tilespmem:s11+$0x0];
	_ =	sdelay $0x1  }
0x1d2: {  	v5 =	vperm.xlane v62, v1;
	_ =	sdelay $0x1  }
0x1d3: {  	v2 =	vsel vm0, v2, v5  }
0x1d4: {  	v2 =	vsel vm2, v2, v3  }
0x1d5: {  	s12 =	sadd.s32 s5, s0;
	[tilespmem:s11+$0x0] =	vst v2  }
0x1d6: {  	v2 =	vld [tilespmem:s12+$0x0];
	_ =	sdelay $0x1  }
0x1d7: {  	v3 =	vperm.xlane v63, v1;
	_ =	sdelay $0x1  }
0x1d8: {  	v5 =	vsel vm0, v5, v3  }
0x1d9: {  	v2 =	vsel vm3, v5, v2  }
0x1da: {  	s13 =	sadd.s32 s5, s2;
	[tilespmem:s12+$0x0] =	vst v2  }
0x1db: {  	v2 =	vld [tilespmem:s13+$0x0];
	_ =	sdelay $0x1  }
0x1dc: {  	v4 =	vperm.xlane v61, v1;
	_ =	sdelay $0x1  }
0x1dd: {  	v3 =	vsel vm0, v3, v4  }
0x1de: {  	v2 =	vsel vm4, v3, v2  }
0x1df: {  	s11 =	sadd.s32 s5, s3;
	[tilespmem:s13+$0x0] =	vst v2  }
0x1e0: {  	v2 =	vld [tilespmem:s11+$0x0];
	_ =	sdelay $0x2  }
0x1e1: {  	s8 =	sadd.s32 $0x100, s25  }
0x1e2: {  	s7 =	simm.s32 $0x20B0;
	s14 =	sand.u32 $0xFFFFF800, s8  }
0x1e3: {  	s6 =	sadd.s32 $0x6080, s14;
	s5 =	simm.s32 $0x80;
	s12 =	simm.s32 $0x100;
	v2 =	vsel vm5, v4, v2  }
.LBB2_10:
0x1e4: {  	s13 =	sadd.s32 s5, s10  }
0x1e5: {  	s14 =	sadd.s32 s16, s6;
	[tilespmem:s11+$0x0] =	vst v2;
	s5 =	smov.u32 s12;
	s1 =	sadd.s32 $0x80, s12  }
0x1e6: {  	p0 =	sne.s32 s12, $0x1F80;
	v2 =	vld [tilespmem:s7+$0xFFFFFFD0];
	s11 =	sand.u32 $0x380, s13;
	s12 =	sadd.s32 s15, s14  }
0x1e7: {  	s12 =	sadd.s32 s11, s12  }
0x1e8: {  	v3 =	vld [tilespmem:s12+$0x0];
	_ =	sdelay $0x2  }
0x1e9: {  	v4 =	vld [tilespmem:s7+$0x0];
	v2 =	vperm.xlane v2, v1  }
0x1ea: {  	s13 =	sadd.s32 s18, s6;
	v5 =	vld [tilespmem:s7+$0xFFFFFFE0]  }
0x1eb: {  	s13 =	sadd.s32 s17, s13;
	v6 =	vld [tilespmem:s7+$0xFFFFFFF0];
	v3 =	vsel vm1, v2, v3  }
0x1ec: {  	[tilespmem:s12+$0x0] =	vst v3;
	s12 =	sadd.s32 s11, s13  }
0x1ed: {  	v3 =	vld [tilespmem:s12+$0x0];
	_ =	sdelay $0x1  }
0x1ee: {  	v5 =	vperm.xlane v5, v1  }
0x1ef: {  	v6 =	vperm.xlane v6, v1  }
0x1f0: {  	s13 =	sadd.s32 s20, s6;
	v2 =	vsel vm0, v2, v5  }
0x1f1: {  	s13 =	sadd.s32 s19, s13;
	v2 =	vsel vm2, v2, v3;
	v3 =	vsel vm0, v5, v6  }
0x1f2: {  	[tilespmem:s12+$0x0] =	vst v2;
	s12 =	sadd.s32 s11, s13  }
0x1f3: {  	v2 =	vld [tilespmem:s12+$0x0];
	_ =	sdelay $0x3  }
0x1f4: {  	s13 =	sadd.s32 s22, s6  }
0x1f5: {  	s13 =	sadd.s32 s21, s13;
	v2 =	vsel vm3, v3, v2  }
0x1f6: {  	[tilespmem:s12+$0x0] =	vst v2;
	s12 =	sadd.s32 s11, s13  }
0x1f7: {  	v2 =	vld [tilespmem:s12+$0x0];
	_ =	sdelay $0x1  }
0x1f8: {  	v3 =	vperm.xlane v4, v1;
	_ =	sdelay $0x1  }
0x1f9: {  	s6 =	sadd.s32 s24, s6;
	v4 =	vsel vm0, v6, v3  }
0x1fa: {  	s6 =	sadd.s32 s23, s6;
	v2 =	vsel vm4, v4, v2  }
0x1fb: {  	s11 =	sadd.s32 s11, s6;
	[tilespmem:s12+$0x0] =	vst v2  }
0x1fc: {  	v2 =	vld [tilespmem:s11+$0x0]  }
.Ltmp4:
0x1fd: {  	(pc) =	sbr.rel @p0 .LBB2_10-.Ltmp4, $4  }
0x1fe: {  	_ = 	snop  }
0x1ff: {  	s8 =	sadd.s32 $0x100, s8  }
0x200: {  	s6 =	sand.u32 $0xFFFFF800, s8  }
0x201: {  	s7 =	sadd.s32 $0x80, s7;
	s6 =	sadd.s32 $0x6080, s6;
	s12 =	smov.u32 s1;
	v2 =	vsel vm5, v3, v2  }
0x202: {  	s1 =	sadd.s32 s5, s10;
	s13 =	sadd.s32 s16, s6;
	[tilespmem:s11+$0x0] =	vst v2  }
0x203: {  	v2 =	vld [tilespmem:s7+$0xFFFFFFD0];
	s1 =	sand.u32 $0x380, s1;
	s5 =	sadd.s32 s15, s13  }
0x204: {  	s5 =	sadd.s32 s1, s5  }
0x205: {  	v3 =	vld [tilespmem:s5+$0x0];
	_ =	sdelay $0x2  }
0x206: {  	v2 =	vperm.xlane v2, v1  }
0x207: {  	s8 =	sadd.s32 s18, s6;
	v5 =	vld [tilespmem:s7+$0xFFFFFFE0]  }
0x208: {  	v4 =	vld [tilespmem:s7+$0x0];
	s14 =	sadd.s32 s17, s8;
	v3 =	vsel vm1, v2, v3  }
0x209: {  	v6 =	vld [tilespmem:s7+$0xFFFFFFF0];
	s8 =	sadd.s32 s1, s14;
	[tilespmem:s5+$0x0] =	vst v3  }
0x20a: {  	v3 =	vld [tilespmem:s8+$0x0];
	_ =	sdelay $0x1  }
0x20b: {  	v5 =	vperm.xlane v5, v1;
	_ =	sdelay $0x1  }
0x20c: {  	s10 =	sadd.s32 s20, s6;
	v2 =	vsel vm0, v2, v5  }
0x20d: {  	s7 =	sadd.s32 s19, s10;
	v2 =	vsel vm2, v2, v3  }
0x20e: {  	s11 =	sadd.s32 s1, s7;
	[tilespmem:s8+$0x0] =	vst v2  }
0x20f: {  	v2 =	vld [tilespmem:s11+$0x0];
	_ =	sdelay $0x1  }
0x210: {  	v3 =	vperm.xlane v6, v1;
	_ =	sdelay $0x1  }
0x211: {  	s12 =	sadd.s32 s22, s6;
	v5 =	vsel vm0, v5, v3  }
0x212: {  	s7 =	sadd.s32 s21, s12;
	v2 =	vsel vm3, v5, v2  }
0x213: {  	s13 =	sadd.s32 s1, s7;
	[tilespmem:s11+$0x0] =	vst v2  }
0x214: {  	v2 =	vld [tilespmem:s13+$0x0];
	_ =	sdelay $0x1  }
0x215: {  	v4 =	vperm.xlane v4, v1;
	_ =	sdelay $0x1  }
0x216: {  	s14 =	sadd.s32 s24, s6;
	v3 =	vsel vm0, v3, v4  }
0x217: {  	s6 =	sadd.s32 s23, s14;
	v2 =	vsel vm4, v3, v2  }
0x218: {  	s1 =	sadd.s32 s1, s6;
	[tilespmem:s13+$0x0] =	vst v2  }
0x219: {  	v2 =	vld [tilespmem:s1+$0x0];
	_ =	sdelay $0x4  }
0x21a: {  	v2 =	vsel vm5, v4, v2  }
0x21b: {  	s12 =	simm.s32 $0x1000;
	s11 =	simm.s32 $0x800;
	s13 =	simm.s32 $0x6080;
	[tilespmem:s1+$0x0] =	vst v2  }
0x21c: {  	[hbm4b:s4+s11] =	stream.strided.scatter [tilespmem:s13], [sflag:$0x1], $0x4800, s12, s11, $0x38;
	[tilespmem:$0xA880] =	vst v63  }
0x21d: {  	_ =	swait.ge [sflag:s9], $0x4800  }
0x21e: {  	[sflag:s9] =	ssyncset.done $0x0  }
0x21f: {  	s6 =	sadd.s32 $0x80000, s28;
	[sflag:s9] =	ssyncadd.s32 $0xFFFFB800  }
0x220: {  	s1 =	sshrl.u32 s6, $0x3;
	s7 =	rddreg [dreg:$0x0]  }
0x221: {  	s4 =	sadd.s32 s7, s1  }
0x222: {  	[tilespmem:s13], [sflag:$0x1] =	stream.strided.gather [hbm4b:s4+s11], $0x4800, s12, s11, $0x38;
	[tilespmem:$0xA880] =	vst v63  }
0x223: {  	_ =	swait.ge [sflag:s9], $0x4800  }
0x224: {  	s8 =	sshll.u32 s26, $0xA;
	[sflag:s9] =	ssyncset.done $0x0  }
0x225: {  	s14 =	simm.s32 $0x0;
	s10 =	ssub.s32 s29, s8;
	[sflag:s9] =	ssyncadd.s32 $0xFFFFB800  }
0x226: {  	s26 =	sand.u32 $0x380, s10;
	v2 =	vld [tilespmem:s14+$0x4000]  }
0x227: {  	s28 =	sadd.s32 s26, s30  }
0x228: {  	v3 =	vld [tilespmem:s28+$0x0];
	_ =	sdelay $0x2  }
0x229: {  	v2 =	vperm.xlane v2, v1  }
0x22a: {  	v62 =	vld [tilespmem:s14+$0x4010]  }
0x22b: {  	v61 =	vld [tilespmem:s14+$0x4030];
	v3 =	vsel vm1, v2, v3  }
0x22c: {  	s29 =	sadd.s32 s26, s31;
	v63 =	vld [tilespmem:s14+$0x4020];
	[tilespmem:s28+$0x0] =	vst v3  }
0x22d: {  	v3 =	vld [tilespmem:s29+$0x0];
	_ =	sdelay $0x1  }
0x22e: {  	v5 =	vperm.xlane v62, v1;
	_ =	sdelay $0x1  }
0x22f: {  	v2 =	vsel vm0, v2, v5  }
0x230: {  	v2 =	vsel vm2, v2, v3  }
0x231: {  	s0 =	sadd.s32 s26, s0;
	[tilespmem:s29+$0x0] =	vst v2  }
0x232: {  	v2 =	vld [tilespmem:s0+$0x0];
	_ =	sdelay $0x1  }
0x233: {  	v3 =	vperm.xlane v63, v1;
	_ =	sdelay $0x1  }
0x234: {  	v5 =	vsel vm0, v5, v3  }
0x235: {  	v2 =	vsel vm3, v5, v2  }
0x236: {  	s30 =	sadd.s32 s26, s2;
	[tilespmem:s0+$0x0] =	vst v2  }
0x237: {  	v2 =	vld [tilespmem:s30+$0x0];
	_ =	sdelay $0x1  }
0x238: {  	v4 =	vperm.xlane v61, v1;
	_ =	sdelay $0x1  }
0x239: {  	v3 =	vsel vm0, v3, v4  }
0x23a: {  	v2 =	vsel vm4, v3, v2  }
0x23b: {  	s1 =	sadd.s32 s26, s3;
	[tilespmem:s30+$0x0] =	vst v2  }
0x23c: {  	v2 =	vld [tilespmem:s1+$0x0];
	_ =	sdelay $0x2  }
0x23d: {  	s3 =	sadd.s32 $0x100, s25  }
0x23e: {  	s2 =	simm.s32 $0x80;
	s31 =	sand.u32 $0xFFFFF800, s3  }
0x23f: {  	s6 =	sadd.s32 $0x80, s10;
	s7 =	simm.s32 $0x400;
	s0 =	sadd.s32 $0x6080, s31;
	v2 =	vsel vm5, v4, v2  }
.LBB2_12:
0x240: {  	s8 =	sshra.s32 s7, $0x2  }
0x241: {  	s10 =	sadd.s32 s16, s0;
	[tilespmem:s1+$0x0] =	vst v2;
	s1 =	smov.u32 s7;
	s5 =	sadd.s32 $0x200, s7  }
0x242: {  	p0 =	sne.s32 s7, $0x7E00;
	v2 =	vld [tilespmem:s2+$0x4000];
	s1 =	sand.u32 $0x380, s6;
	s7 =	sadd.s32 s15, s10  }
0x243: {  	s7 =	sadd.s32 s1, s7  }
0x244: {  	v3 =	vld [tilespmem:s7+$0x0];
	_ =	sdelay $0x2  }
0x245: {  	v4 =	vld [tilespmem:s2+$0x4030];
	v2 =	vperm.xlane v2, v1  }
0x246: {  	s10 =	sadd.s32 s18, s0;
	v5 =	vld [tilespmem:s2+$0x4010]  }
0x247: {  	s10 =	sadd.s32 s17, s10;
	v6 =	vld [tilespmem:s2+$0x4020];
	v3 =	vsel vm1, v2, v3;
	s2 =	smov.u32 s8  }
0x248: {  	[tilespmem:s7+$0x0] =	vst v3;
	s7 =	sadd.s32 s1, s10  }
0x249: {  	v3 =	vld [tilespmem:s7+$0x0];
	_ =	sdelay $0x1  }
0x24a: {  	v5 =	vperm.xlane v5, v1  }
0x24b: {  	v6 =	vperm.xlane v6, v1  }
0x24c: {  	s8 =	sadd.s32 s20, s0;
	v2 =	vsel vm0, v2, v5  }
0x24d: {  	s8 =	sadd.s32 s19, s8;
	v2 =	vsel vm2, v2, v3;
	v3 =	vsel vm0, v5, v6  }
0x24e: {  	[tilespmem:s7+$0x0] =	vst v2;
	s7 =	sadd.s32 s1, s8  }
0x24f: {  	v2 =	vld [tilespmem:s7+$0x0];
	_ =	sdelay $0x3  }
0x250: {  	s8 =	sadd.s32 s22, s0  }
0x251: {  	s8 =	sadd.s32 s21, s8;
	v2 =	vsel vm3, v3, v2  }
0x252: {  	[tilespmem:s7+$0x0] =	vst v2;
	s7 =	sadd.s32 s1, s8  }
0x253: {  	v2 =	vld [tilespmem:s7+$0x0];
	_ =	sdelay $0x1  }
0x254: {  	v3 =	vperm.xlane v4, v1;
	_ =	sdelay $0x1  }
0x255: {  	s0 =	sadd.s32 s24, s0;
	v4 =	vsel vm0, v6, v3  }
0x256: {  	s0 =	sadd.s32 s23, s0;
	v2 =	vsel vm4, v4, v2  }
0x257: {  	s1 =	sadd.s32 s1, s0;
	[tilespmem:s7+$0x0] =	vst v2  }
0x258: {  	v2 =	vld [tilespmem:s1+$0x0]  }
.Ltmp5:
0x259: {  	(pc) =	sbr.rel @p0 .LBB2_12-.Ltmp5, $4  }
0x25a: {  	_ = 	snop  }
0x25b: {  	s3 =	sadd.s32 $0x100, s3  }
0x25c: {  	s0 =	sand.u32 $0xFFFFF800, s3  }
0x25d: {  	s6 =	sadd.s32 $0x80, s6;
	s0 =	sadd.s32 $0x6080, s0;
	s7 =	smov.u32 s5;
	v2 =	vsel vm5, v3, v2  }
0x25e: {  	s3 =	sadd.s32 s16, s0;
	[tilespmem:s1+$0x0] =	vst v2  }
0x25f: {  	s16 =	sand.u32 $0x380, s6;
	v2 =	vld [tilespmem:s2+$0x4000];
	s3 =	sadd.s32 s15, s3  }
0x260: {  	s3 =	sadd.s32 s16, s3  }
0x261: {  	v3 =	vld [tilespmem:s3+$0x0];
	_ =	sdelay $0x2  }
0x262: {  	v2 =	vperm.xlane v2, v1  }
0x263: {  	s5 =	sadd.s32 s18, s0;
	v5 =	vld [tilespmem:s2+$0x4010]  }
0x264: {  	v4 =	vld [tilespmem:s2+$0x4030];
	s18 =	sadd.s32 s17, s5;
	v3 =	vsel vm1, v2, v3  }
0x265: {  	v6 =	vld [tilespmem:s2+$0x4020];
	s2 =	sadd.s32 s16, s18;
	[tilespmem:s3+$0x0] =	vst v3  }
0x266: {  	v3 =	vld [tilespmem:s2+$0x0];
	_ =	sdelay $0x1  }
0x267: {  	v5 =	vperm.xlane v5, v1;
	_ =	sdelay $0x1  }
0x268: {  	s20 =	sadd.s32 s20, s0;
	v2 =	vsel vm0, v2, v5  }
0x269: {  	s3 =	sadd.s32 s19, s20;
	v2 =	vsel vm2, v2, v3  }
0x26a: {  	s25 =	sadd.s32 s16, s3;
	[tilespmem:s2+$0x0] =	vst v2  }
0x26b: {  	v2 =	vld [tilespmem:s25+$0x0];
	_ =	sdelay $0x1  }
0x26c: {  	v3 =	vperm.xlane v6, v1;
	_ =	sdelay $0x1  }
0x26d: {  	s26 =	sadd.s32 s22, s0;
	v5 =	vsel vm0, v5, v3  }
0x26e: {  	s3 =	sadd.s32 s21, s26;
	v2 =	vsel vm3, v5, v2  }
0x26f: {  	s28 =	sadd.s32 s16, s3;
	[tilespmem:s25+$0x0] =	vst v2  }
0x270: {  	v2 =	vld [tilespmem:s28+$0x0];
	_ =	sdelay $0x1  }
0x271: {  	v1 =	vperm.xlane v4, v1;
	_ =	sdelay $0x1  }
0x272: {  	s29 =	sadd.s32 s24, s0;
	v3 =	vsel vm0, v3, v1  }
0x273: {  	s0 =	sadd.s32 s23, s29;
	v2 =	vsel vm4, v3, v2  }
0x274: {  	s0 =	sadd.s32 s16, s0;
	[tilespmem:s28+$0x0] =	vst v2  }
0x275: {  	v2 =	vld [tilespmem:s0+$0x0];
	_ =	sdelay $0x4  }
0x276: {  	v1 =	vsel vm5, v1, v2  }
0x277: {  	[tilespmem:s0+$0x0] =	vst v1  }
0x278: {  	[hbm4b:s4+s11] =	stream.strided.scatter [tilespmem:s13], [sflag:$0x1], $0x4800, s12, s11, $0x38;
	[tilespmem:$0xA880] =	vst v63  }
0x279: {  	_ =	swait.ge [sflag:s9], $0x4800  }
0x27a: {  	s30 =	rddreg [dreg:$0x8]  }
0x27b: {  	s31 =	rddreg [dreg:$0x7];
	s1 =	sadd.s32 $0x1, s30  }
0x27c: {  	p0 =	sne.s32 s1, s31  }
.Ltmp6:
0x27d: {  	_ = 	snop;
	(pc) =	sbr.rel @p0 .LBB2_1-.Ltmp6, $3  }
0x27e: {  	_ =	sdelay $0x1  }
0x27f: {  	[sflag:s9] =	ssyncset.done $0x0  }
0x280: {  	[sflag:s9] =	ssyncadd.s32 $0xFFFFB800  }
0x281: {  	_ =	sfence.sel $0x180000  }
0x282: {  	[bflag:$0x0] =	sbarrier.arrive $0xFFFF  }
0x283: {  	_ =	strace $0x90000047  }
0x284: {  	s0 =	stileid.u32;
	[bflag:$0x2] =	sbarrier.arrive $0xFFFF  }
0x285: {  	p0 =	sne.s32 s0, $0x0;
	s0 =	rddreg [dreg:$0x3]  }
0x286: {  	s0 =	sadd.s32 @!p0 $0x100000, s0  }
0x287: {  	[sflag:s0] =	ssyncadd.tile.s32 @!p0 $0x1;
	_ =	shalt  }
.Lfunc_end2:
_tile_overlayer_lowered:
.L_overlay_start_2:
0x288: {  	(tag) =	ssettag $0x2  }
0x289: {  	s0 =	rddreg [dreg:$0x0];
	s2 =	stileid.u32  }
0x28a: {  	s1 =	rddreg [dreg:$0x1];
	p0 =	sne.s32 s2, $0x0  }
0x28b: {  	s3 =	rddreg [dreg:$0x2];
	[bflag:$0x3] =	sbarrier.arrive $0xFFFF;
	s2 =	simm.s32 @!p0 $0x1C01  }
0x28c: {  	[timem:s3], [sflag:s2] =	dma.local @!p0 [hbm:s0], s1  }
0x28d: {  	s0 =	simm.s32 @!p0 $0x1  }
0x28e: {  	_ =	swait.ge @!p0 [sflag:s0], s1  }
0x28f: {  	s1 =	ssub.s32 @!p0 $0x0, s1;
	[sflag:s0] =	ssyncset.done @!p0 $0x0  }
0x290: {  	[sflag:s0] =	ssyncadd.s32 @!p0 s1  }
0x291: {  	[bflag:$0x3] =	sbarrier.arrive $0xFFFF  }
0x292: {  	_ =	shalt  }

</sc_bundles>
